<compile_context>
chip_gen: v7x
topology: tpu7x:2x2x1
jax: 0.10.2.dev20260603
libtpu: 0.0.44.dev20260713+nightly
codegen_flags: <defaults>
</compile_context>

<pallas_src>
import functools

import jax
import jax.numpy as jnp
from jax import lax
from jax.experimental import pallas as pl
from jax.experimental.pallas import tpu as pltpu
from jax.experimental.pallas import tpu_sc as plsc

N = 10000
D_IN = 128
D_EDGE = 16
NC = 2
NS = 16
CHUNK = 128
ACC_ROWS = 10240
ROWS_PER_TILE = ACC_ROWS // NS


def _sc_aggregate(x, src, dst, ea):
    e_pad = src.shape[0]
    per_tile = e_pad // NS
    n_chunks = per_tile // CHUNK

    mesh = plsc.VectorSubcoreMesh(core_axis_name="c", subcore_axis_name="s")

    @functools.partial(
        pl.kernel,
        out_type=(
            jax.ShapeDtypeStruct((ACC_ROWS, D_IN), jnp.float32),
            jax.ShapeDtypeStruct((ACC_ROWS, D_IN), jnp.float32),
        ),
        mesh=mesh,
        scratch_types=[
            pltpu.VMEM_SHARED((ACC_ROWS, D_IN), jnp.float32),
            pltpu.VMEM((1, CHUNK), jnp.int32),
            pltpu.VMEM((1, CHUNK), jnp.int32),
            pltpu.VMEM((CHUNK, D_IN), jnp.float32),
            pltpu.VMEM((CHUNK * D_EDGE,), jnp.float32),
            pltpu.SemaphoreType.DMA,
        ],
    )
    def agg(x_hbm, src_hbm, dst_hbm, ea_hbm, px_hbm, pe_hbm,
            acc, src_i, dst_i, rows, ecomp, sem0):
        cid = lax.axis_index("c")
        sid = lax.axis_index("s")

        def zrow(r, _):
            for cc in range(D_IN // 16):
                rows[r, pl.ds(cc * 16, 16)] = jnp.zeros((16,), jnp.float32)
            return 0
        lax.fori_loop(0, CHUNK, zrow, 0)
        zbase = sid * ROWS_PER_TILE
        for k in range(ROWS_PER_TILE // CHUNK):
            pltpu.sync_copy(rows, acc.at[pl.ds(zbase + k * CHUNK,
                                                     CHUNK)])
        plsc.subcore_barrier()

        tile_chunk0 = sid * n_chunks

        @pl.when(cid == 0)
        def _():
            def chunk_body(j, _):
                base = (tile_chunk0 + j) * CHUNK
                pltpu.sync_copy(src_hbm.at[pl.ds(base, CHUNK)], src_i.at[0])
                pltpu.sync_copy(dst_hbm.at[pl.ds(base, CHUNK)], dst_i.at[0])
                pltpu.async_copy(x_hbm.at[src_i.at[0]], rows,
                                 sem0).wait()
                pltpu.sync_copy(rows, acc.at[dst_i.at[0]], add=True)
                return 0
            lax.fori_loop(0, n_chunks, chunk_body, 0)

        @pl.when(cid == 1)
        def _():
            def chunk_body(j, _):
                base = (tile_chunk0 + j) * CHUNK
                pltpu.sync_copy(dst_hbm.at[pl.ds(base, CHUNK)], dst_i.at[0])
                pltpu.sync_copy(
                    ea_hbm.at[pl.ds(base * D_EDGE, CHUNK * D_EDGE)], ecomp)

                def expand(e, _):
                    rows[e, pl.ds(0, D_EDGE)] = ecomp[pl.ds(e * D_EDGE,
                                                            D_EDGE)]
                    return 0
                lax.fori_loop(0, CHUNK, expand, 0)
                pltpu.sync_copy(rows, acc.at[dst_i.at[0]], add=True)
                return 0
            lax.fori_loop(0, n_chunks, chunk_body, 0)

        plsc.subcore_barrier()

        @pl.when(cid == 0)
        def _():
            for k in range(ROWS_PER_TILE // CHUNK):
                sl = pl.ds(zbase + k * CHUNK, CHUNK)
                pltpu.sync_copy(acc.at[sl], rows)
                pltpu.sync_copy(rows, px_hbm.at[sl])

        @pl.when(cid == 1)
        def _():
            for k in range(ROWS_PER_TILE // CHUNK):
                sl = pl.ds(zbase + k * CHUNK, CHUNK)
                pltpu.sync_copy(acc.at[sl], rows)
                pltpu.sync_copy(rows, pe_hbm.at[sl])

    return agg(x, src, dst, ea)


def _tc_combine(px, pe, wxt, wet_pad):
    blk = 1024
    grid = ACC_ROWS // blk

    def body(a, e, wx, we, o):
        o[...] = (jnp.dot(a[...], wx[...], preferred_element_type=jnp.float32)
                  + jnp.dot(e[...], we[...],
                            preferred_element_type=jnp.float32))

    return pl.pallas_call(
        body,
        grid=(grid,),
        in_specs=[
            pl.BlockSpec((blk, D_IN), lambda i: (i, 0)),
            pl.BlockSpec((blk, D_IN), lambda i: (i, 0)),
            pl.BlockSpec((D_IN, D_IN), lambda i: (0, 0)),
            pl.BlockSpec((D_IN, D_IN), lambda i: (0, 0)),
        ],
        out_specs=pl.BlockSpec((blk, D_IN), lambda i: (i, 0)),
        out_shape=jax.ShapeDtypeStruct((ACC_ROWS, D_IN), jnp.float32),
    )(px, pe, wxt, wet_pad)


@jax.jit
def kernel(x, edge_index, edge_attr, W):
    E = edge_index.shape[1]
    unit = NS * CHUNK
    e_pad = -(-E // unit) * unit
    pad = e_pad - E

    src = jnp.concatenate([edge_index[0], jnp.zeros((pad,), jnp.int32)])
    dst = jnp.concatenate([edge_index[1], jnp.full((pad,), N, jnp.int32)])
    ea_flat = jnp.concatenate(
        [edge_attr.reshape(-1), jnp.zeros((pad * D_EDGE,), jnp.float32)])

    px, pe = _sc_aggregate(x, src, dst, ea_flat)

    wxt = W[:, :D_IN].T
    wet_pad = jnp.concatenate(
        [W[:, D_IN:].T, jnp.zeros((D_IN - D_EDGE, D_IN), jnp.float32)])
    out = _tc_combine(px, pe, wxt, wet_pad)
    return out[:N]

# --- scband reference (transcript-rebuilt; emitter-appended) ---
"""Pipeline reference for scband-general-edge-conv-56908316672636 (READ-ONLY COPY).

The authoritative reference and input builder live on the scoring server;
editing this copy changes nothing except your own understanding.
"""

import jax, jax.numpy as jnp
import numpy as np

N = 10000
E = 320000
D_IN = 128
D_EDGE = 16
D_OUT = 128


def setup_inputs(seed: int = 0) -> dict:
    key = jax.random.key(seed)
    k1, k2, k3, k4 = jax.random.split(key, 4)
    x = jax.random.normal(k1, (N, D_IN), dtype=jnp.float32)
    edge_index = jax.random.randint(k2, (2, E), 0, N, dtype=jnp.int32)
    edge_attr = jax.random.normal(k3, (E, D_EDGE), dtype=jnp.float32)
    # GeneralEdgeConvLayer: linear_msg = nn.Linear(dim_in + edge_dim, dim_out, bias=False)
    W = jax.random.normal(k4, (D_OUT, D_IN + D_EDGE), dtype=jnp.float32) * 0.05
    return {"x": x, "edge_index": edge_index, "edge_attr": edge_attr, "W": W}


def reference(x, edge_index, edge_attr, W):
    # PyG MessagePassing flow source_to_target: x_j = x[edge_index[0]], aggregate at edge_index[1]
    src = edge_index[0]
    dst = edge_index[1]
    x_j = jnp.take(x, src, axis=0)                      # gather: [E, D_IN]
    msg_in = jnp.concatenate([x_j, edge_attr], axis=-1)  # [E, D_IN + D_EDGE]
    msg = msg_in @ W.T                                   # [E, D_OUT]
    out = jax.ops.segment_sum(msg, dst, num_segments=N)  # scatter-add aggregation ('add')
    return out

if __name__ == "__main__":
    import jax
    _d = setup_inputs()
    print(jax.jit(kernel)(*tuple(_d.values())))

</pallas_src>

<mosaic_0001>
#map = affine_map<(d0, d1) -> (0, 0)>
#map1 = affine_map<(d0, d1) -> (0)>
module attributes {stable_mosaic.version = 14 : i64} {
  func.func @agg(%arg0: i32, %arg1: i32, %arg2: memref<10000x128xf32, #tpu.memory_space<hbm>>, %arg3: memref<321536xi32, #tpu.memory_space<hbm>>, %arg4: memref<321536xi32, #tpu.memory_space<hbm>>, %arg5: memref<5144576xf32, #tpu.memory_space<hbm>>, %arg6: memref<10240x128xf32, #tpu.memory_space<hbm>>, %arg7: memref<10240x128xf32, #tpu.memory_space<hbm>>, %arg8: memref<10240x128xf32, #tpu.memory_space<vmem_shared>>, %arg9: memref<1x128xi32, #tpu.memory_space<vmem>>, %arg10: memref<1x128xi32, #tpu.memory_space<vmem>>, %arg11: memref<128x128xf32, #tpu.memory_space<vmem>>, %arg12: memref<2048xf32, #tpu.memory_space<vmem>>, %arg13: memref<!tpu.dma_semaphore, #tpu.memory_space<semaphore_mem>>) attributes {dimension_semantics = [#tpu.dimension_semantics<core_parallel>, #tpu.dimension_semantics<subcore_parallel>], iteration_bounds = array<i64: 2, 16>, scalar_prefetch = 0 : i64, scratch_operands = 6 : i64, tpu.core_type = #tpu.core_type<sc_vector_subcore>, window_params = [{transform_indices = #map}, {transform_indices = #map1}, {transform_indices = #map1}, {transform_indices = #map1}, {transform_indices = #map}, {transform_indices = #map}]} {
    %scan3A = arith.constant 0 : i32
    %scan3A_0 = arith.constant 0 : i32
    %scan3A_1 = arith.constant 128 : i32
    %scan3A_2 = arith.addi %scan3A_0, %scan3A_1 : i32
    %scan3A_3 = arith.constant 1 : i32
    %scan3A_4 = scf.for %scan3A_36 = %scan3A_0 to %scan3A_2 step %scan3A_3 iter_args(%scan3A_37 = %scan3A) -> (i32)  : i32 {
      %broadcast_in_dim3A = arith.constant 0.000000e+00 : f32
      %broadcast_in_dim3A_38 = vector.broadcast %broadcast_in_dim3A : f32 to vector<16xf32>
      %swap3A = arith.index_cast %scan3A_36 : i32 to index
      %swap3A_39 = arith.constant 0 : index
      %swap3A_40 = tpu.vector_load %arg11[%swap3A, %swap3A_39] {strides = array<i32>} : memref<128x128xf32, #tpu.memory_space<vmem>>, vector<1x16xf32>,
      %swap3A_41 = vector.shape_cast %swap3A_40 : vector<1x16xf32> to vector<16xf32>
      %swap3A_42 = vector.shape_cast %broadcast_in_dim3A_38 : vector<16xf32> to vector<1x16xf32>
      tpu.vector_store %arg11[%swap3A, %swap3A_39], %swap3A_42 {strides = array<i32>} : memref<128x128xf32, #tpu.memory_space<vmem>>, vector<1x16xf32>,
      %broadcast_in_dim3A_43 = arith.constant 0.000000e+00 : f32
      %broadcast_in_dim3A_44 = vector.broadcast %broadcast_in_dim3A_43 : f32 to vector<16xf32>
      %swap3A_45 = arith.index_cast %scan3A_36 : i32 to index
      %swap3A_46 = arith.constant 16 : index
      %swap3A_47 = tpu.vector_load %arg11[%swap3A_45, %swap3A_46] {strides = array<i32>} : memref<128x128xf32, #tpu.memory_space<vmem>>, vector<1x16xf32>,
      %swap3A_48 = vector.shape_cast %swap3A_47 : vector<1x16xf32> to vector<16xf32>
      %swap3A_49 = vector.shape_cast %broadcast_in_dim3A_44 : vector<16xf32> to vector<1x16xf32>
      tpu.vector_store %arg11[%swap3A_45, %swap3A_46], %swap3A_49 {strides = array<i32>} : memref<128x128xf32, #tpu.memory_space<vmem>>, vector<1x16xf32>,
      %broadcast_in_dim3A_50 = arith.constant 0.000000e+00 : f32
      %broadcast_in_dim3A_51 = vector.broadcast %broadcast_in_dim3A_50 : f32 to vector<16xf32>
      %swap3A_52 = arith.index_cast %scan3A_36 : i32 to index
      %swap3A_53 = arith.constant 32 : index
      %swap3A_54 = tpu.vector_load %arg11[%swap3A_52, %swap3A_53] {strides = array<i32>} : memref<128x128xf32, #tpu.memory_space<vmem>>, vector<1x16xf32>,
      %swap3A_55 = vector.shape_cast %swap3A_54 : vector<1x16xf32> to vector<16xf32>
      %swap3A_56 = vector.shape_cast %broadcast_in_dim3A_51 : vector<16xf32> to vector<1x16xf32>
      tpu.vector_store %arg11[%swap3A_52, %swap3A_53], %swap3A_56 {strides = array<i32>} : memref<128x128xf32, #tpu.memory_space<vmem>>, vector<1x16xf32>,
      %broadcast_in_dim3A_57 = arith.constant 0.000000e+00 : f32
      %broadcast_in_dim3A_58 = vector.broadcast %broadcast_in_dim3A_57 : f32 to vector<16xf32>
      %swap3A_59 = arith.index_cast %scan3A_36 : i32 to index
      %swap3A_60 = arith.constant 48 : index
      %swap3A_61 = tpu.vector_load %arg11[%swap3A_59, %swap3A_60] {strides = array<i32>} : memref<128x128xf32, #tpu.memory_space<vmem>>, vector<1x16xf32>,
      %swap3A_62 = vector.shape_cast %swap3A_61 : vector<1x16xf32> to vector<16xf32>
      %swap3A_63 = vector.shape_cast %broadcast_in_dim3A_58 : vector<16xf32> to vector<1x16xf32>
      tpu.vector_store %arg11[%swap3A_59, %swap3A_60], %swap3A_63 {strides = array<i32>} : memref<128x128xf32, #tpu.memory_space<vmem>>, vector<1x16xf32>,
      %broadcast_in_dim3A_64 = arith.constant 0.000000e+00 : f32
      %broadcast_in_dim3A_65 = vector.broadcast %broadcast_in_dim3A_64 : f32 to vector<16xf32>
      %swap3A_66 = arith.index_cast %scan3A_36 : i32 to index
      %swap3A_67 = arith.constant 64 : index
      %swap3A_68 = tpu.vector_load %arg11[%swap3A_66, %swap3A_67] {strides = array<i32>} : memref<128x128xf32, #tpu.memory_space<vmem>>, vector<1x16xf32>,
      %swap3A_69 = vector.shape_cast %swap3A_68 : vector<1x16xf32> to vector<16xf32>
      %swap3A_70 = vector.shape_cast %broadcast_in_dim3A_65 : vector<16xf32> to vector<1x16xf32>
      tpu.vector_store %arg11[%swap3A_66, %swap3A_67], %swap3A_70 {strides = array<i32>} : memref<128x128xf32, #tpu.memory_space<vmem>>, vector<1x16xf32>,
      %broadcast_in_dim3A_71 = arith.constant 0.000000e+00 : f32
      %broadcast_in_dim3A_72 = vector.broadcast %broadcast_in_dim3A_71 : f32 to vector<16xf32>
      %swap3A_73 = arith.index_cast %scan3A_36 : i32 to index
      %swap3A_74 = arith.constant 80 : index
      %swap3A_75 = tpu.vector_load %arg11[%swap3A_73, %swap3A_74] {strides = array<i32>} : memref<128x128xf32, #tpu.memory_space<vmem>>, vector<1x16xf32>,
      %swap3A_76 = vector.shape_cast %swap3A_75 : vector<1x16xf32> to vector<16xf32>
      %swap3A_77 = vector.shape_cast %broadcast_in_dim3A_72 : vector<16xf32> to vector<1x16xf32>
      tpu.vector_store %arg11[%swap3A_73, %swap3A_74], %swap3A_77 {strides = array<i32>} : memref<128x128xf32, #tpu.memory_space<vmem>>, vector<1x16xf32>,
      %broadcast_in_dim3A_78 = arith.constant 0.000000e+00 : f32
      %broadcast_in_dim3A_79 = vector.broadcast %broadcast_in_dim3A_78 : f32 to vector<16xf32>
      %swap3A_80 = arith.index_cast %scan3A_36 : i32 to index
      %swap3A_81 = arith.constant 96 : index
      %swap3A_82 = tpu.vector_load %arg11[%swap3A_80, %swap3A_81] {strides = array<i32>} : memref<128x128xf32, #tpu.memory_space<vmem>>, vector<1x16xf32>,
      %swap3A_83 = vector.shape_cast %swap3A_82 : vector<1x16xf32> to vector<16xf32>
      %swap3A_84 = vector.shape_cast %broadcast_in_dim3A_79 : vector<16xf32> to vector<1x16xf32>
      tpu.vector_store %arg11[%swap3A_80, %swap3A_81], %swap3A_84 {strides = array<i32>} : memref<128x128xf32, #tpu.memory_space<vmem>>, vector<1x16xf32>,
      %broadcast_in_dim3A_85 = arith.constant 0.000000e+00 : f32
      %broadcast_in_dim3A_86 = vector.broadcast %broadcast_in_dim3A_85 : f32 to vector<16xf32>
      %swap3A_87 = arith.index_cast %scan3A_36 : i32 to index
      %swap3A_88 = arith.constant 112 : index
      %swap3A_89 = tpu.vector_load %arg11[%swap3A_87, %swap3A_88] {strides = array<i32>} : memref<128x128xf32, #tpu.memory_space<vmem>>, vector<1x16xf32>,
      %swap3A_90 = vector.shape_cast %swap3A_89 : vector<1x16xf32> to vector<16xf32>
      %swap3A_91 = vector.shape_cast %broadcast_in_dim3A_86 : vector<16xf32> to vector<1x16xf32>
      tpu.vector_store %arg11[%swap3A_87, %swap3A_88], %swap3A_91 {strides = array<i32>} : memref<128x128xf32, #tpu.memory_space<vmem>>, vector<1x16xf32>,
      %scan3A_92 = arith.constant 0 : i32
      scf.yield %scan3A_92 : i32
    }
    %scan3A_5 = arith.constant 128 : i32
    %mul3A = arith.constant 640 : i32
    %mul3A_6 = arith.muli %arg1, %mul3A : i32
    %add3A = arith.constant 0 : i32
    %add3A_7 = arith.addi %mul3A_6, %add3A : i32
    "tpu.region"() ({
      %run_scoped3A = tpu.sem_alloc : memref<!tpu.dma_semaphore, #tpu.memory_space<semaphore_mem>>
      %dma_start3A = arith.constant 0 : i32
      %dma_start3A_36 = tpu.memref_slice %arg8[%add3A_7, %dma_start3A] : memref<10240x128xf32, #tpu.memory_space<vmem_shared>> -> memref<128x128xf32, #tpu.memory_space<vmem_shared>>
      %dma_start3A_37 = arith.constant 0 : i32
      %dma_start3A_38 = tpu.memref_slice %arg8[%add3A_7, %dma_start3A_37] : memref<10240x128xf32, #tpu.memory_space<vmem_shared>> -> memref<128x128xf32, #tpu.memory_space<vmem_shared>>
      tpu.enqueue_dma source(%arg11 : memref<128x128xf32, #tpu.memory_space<vmem>>) target(%dma_start3A_38 : memref<128x128xf32, #tpu.memory_space<vmem_shared>>) target_semaphore(%run_scoped3A : memref<!tpu.dma_semaphore, #tpu.memory_space<semaphore_mem>>)
      %dma_wait3A = arith.constant 0 : i32
      %dma_wait3A_39 = tpu.memref_slice %arg8[%add3A_7, %dma_wait3A] : memref<10240x128xf32, #tpu.memory_space<vmem_shared>> -> memref<128x128xf32, #tpu.memory_space<vmem_shared>>
      %dma_wait3A_40 = arith.constant 0 : i32
      %dma_wait3A_41 = tpu.memref_slice %arg8[%add3A_7, %dma_wait3A_40] : memref<10240x128xf32, #tpu.memory_space<vmem_shared>> -> memref<128x128xf32, #tpu.memory_space<vmem_shared>>
      tpu.wait_dma2 semaphore(%run_scoped3A : memref<!tpu.dma_semaphore, #tpu.memory_space<semaphore_mem>>) src(%arg11 : memref<128x128xf32, #tpu.memory_space<vmem>>) dst(%dma_wait3A_41 : memref<128x128xf32, #tpu.memory_space<vmem_shared>>)
      tpu.yield
    }) : () -> ()
    %add3A_8 = arith.constant 128 : i32
    %add3A_9 = arith.addi %mul3A_6, %add3A_8 : i32
    "tpu.region"() ({
      %run_scoped3A = tpu.sem_alloc : memref<!tpu.dma_semaphore, #tpu.memory_space<semaphore_mem>>
      %dma_start3A = arith.constant 0 : i32
      %dma_start3A_36 = tpu.memref_slice %arg8[%add3A_9, %dma_start3A] : memref<10240x128xf32, #tpu.memory_space<vmem_shared>> -> memref<128x128xf32, #tpu.memory_space<vmem_shared>>
      %dma_start3A_37 = arith.constant 0 : i32
      %dma_start3A_38 = tpu.memref_slice %arg8[%add3A_9, %dma_start3A_37] : memref<10240x128xf32, #tpu.memory_space<vmem_shared>> -> memref<128x128xf32, #tpu.memory_space<vmem_shared>>
      tpu.enqueue_dma source(%arg11 : memref<128x128xf32, #tpu.memory_space<vmem>>) target(%dma_start3A_38 : memref<128x128xf32, #tpu.memory_space<vmem_shared>>) target_semaphore(%run_scoped3A : memref<!tpu.dma_semaphore, #tpu.memory_space<semaphore_mem>>)
      %dma_wait3A = arith.constant 0 : i32
      %dma_wait3A_39 = tpu.memref_slice %arg8[%add3A_9, %dma_wait3A] : memref<10240x128xf32, #tpu.memory_space<vmem_shared>> -> memref<128x128xf32, #tpu.memory_space<vmem_shared>>
      %dma_wait3A_40 = arith.constant 0 : i32
      %dma_wait3A_41 = tpu.memref_slice %arg8[%add3A_9, %dma_wait3A_40] : memref<10240x128xf32, #tpu.memory_space<vmem_shared>> -> memref<128x128xf32, #tpu.memory_space<vmem_shared>>
      tpu.wait_dma2 semaphore(%run_scoped3A : memref<!tpu.dma_semaphore, #tpu.memory_space<semaphore_mem>>) src(%arg11 : memref<128x128xf32, #tpu.memory_space<vmem>>) dst(%dma_wait3A_41 : memref<128x128xf32, #tpu.memory_space<vmem_shared>>)
      tpu.yield
    }) : () -> ()
    %add3A_10 = arith.constant 256 : i32
    %add3A_11 = arith.addi %mul3A_6, %add3A_10 : i32
    "tpu.region"() ({
      %run_scoped3A = tpu.sem_alloc : memref<!tpu.dma_semaphore, #tpu.memory_space<semaphore_mem>>
      %dma_start3A = arith.constant 0 : i32
      %dma_start3A_36 = tpu.memref_slice %arg8[%add3A_11, %dma_start3A] : memref<10240x128xf32, #tpu.memory_space<vmem_shared>> -> memref<128x128xf32, #tpu.memory_space<vmem_shared>>
      %dma_start3A_37 = arith.constant 0 : i32
      %dma_start3A_38 = tpu.memref_slice %arg8[%add3A_11, %dma_start3A_37] : memref<10240x128xf32, #tpu.memory_space<vmem_shared>> -> memref<128x128xf32, #tpu.memory_space<vmem_shared>>
      tpu.enqueue_dma source(%arg11 : memref<128x128xf32, #tpu.memory_space<vmem>>) target(%dma_start3A_38 : memref<128x128xf32, #tpu.memory_space<vmem_shared>>) target_semaphore(%run_scoped3A : memref<!tpu.dma_semaphore, #tpu.memory_space<semaphore_mem>>)
      %dma_wait3A = arith.constant 0 : i32
      %dma_wait3A_39 = tpu.memref_slice %arg8[%add3A_11, %dma_wait3A] : memref<10240x128xf32, #tpu.memory_space<vmem_shared>> -> memref<128x128xf32, #tpu.memory_space<vmem_shared>>
      %dma_wait3A_40 = arith.constant 0 : i32
      %dma_wait3A_41 = tpu.memref_slice %arg8[%add3A_11, %dma_wait3A_40] : memref<10240x128xf32, #tpu.memory_space<vmem_shared>> -> memref<128x128xf32, #tpu.memory_space<vmem_shared>>
      tpu.wait_dma2 semaphore(%run_scoped3A : memref<!tpu.dma_semaphore, #tpu.memory_space<semaphore_mem>>) src(%arg11 : memref<128x128xf32, #tpu.memory_space<vmem>>) dst(%dma_wait3A_41 : memref<128x128xf32, #tpu.memory_space<vmem_shared>>)
      tpu.yield
    }) : () -> ()
    %add3A_12 = arith.constant 384 : i32
    %add3A_13 = arith.addi %mul3A_6, %add3A_12 : i32
    "tpu.region"() ({
      %run_scoped3A = tpu.sem_alloc : memref<!tpu.dma_semaphore, #tpu.memory_space<semaphore_mem>>
      %dma_start3A = arith.constant 0 : i32
      %dma_start3A_36 = tpu.memref_slice %arg8[%add3A_13, %dma_start3A] : memref<10240x128xf32, #tpu.memory_space<vmem_shared>> -> memref<128x128xf32, #tpu.memory_space<vmem_shared>>
      %dma_start3A_37 = arith.constant 0 : i32
      %dma_start3A_38 = tpu.memref_slice %arg8[%add3A_13, %dma_start3A_37] : memref<10240x128xf32, #tpu.memory_space<vmem_shared>> -> memref<128x128xf32, #tpu.memory_space<vmem_shared>>
      tpu.enqueue_dma source(%arg11 : memref<128x128xf32, #tpu.memory_space<vmem>>) target(%dma_start3A_38 : memref<128x128xf32, #tpu.memory_space<vmem_shared>>) target_semaphore(%run_scoped3A : memref<!tpu.dma_semaphore, #tpu.memory_space<semaphore_mem>>)
      %dma_wait3A = arith.constant 0 : i32
      %dma_wait3A_39 = tpu.memref_slice %arg8[%add3A_13, %dma_wait3A] : memref<10240x128xf32, #tpu.memory_space<vmem_shared>> -> memref<128x128xf32, #tpu.memory_space<vmem_shared>>
      %dma_wait3A_40 = arith.constant 0 : i32
      %dma_wait3A_41 = tpu.memref_slice %arg8[%add3A_13, %dma_wait3A_40] : memref<10240x128xf32, #tpu.memory_space<vmem_shared>> -> memref<128x128xf32, #tpu.memory_space<vmem_shared>>
      tpu.wait_dma2 semaphore(%run_scoped3A : memref<!tpu.dma_semaphore, #tpu.memory_space<semaphore_mem>>) src(%arg11 : memref<128x128xf32, #tpu.memory_space<vmem>>) dst(%dma_wait3A_41 : memref<128x128xf32, #tpu.memory_space<vmem_shared>>)
      tpu.yield
    }) : () -> ()
    %add3A_14 = arith.constant 512 : i32
    %add3A_15 = arith.addi %mul3A_6, %add3A_14 : i32
    "tpu.region"() ({
      %run_scoped3A = tpu.sem_alloc : memref<!tpu.dma_semaphore, #tpu.memory_space<semaphore_mem>>
      %dma_start3A = arith.constant 0 : i32
      %dma_start3A_36 = tpu.memref_slice %arg8[%add3A_15, %dma_start3A] : memref<10240x128xf32, #tpu.memory_space<vmem_shared>> -> memref<128x128xf32, #tpu.memory_space<vmem_shared>>
      %dma_start3A_37 = arith.constant 0 : i32
      %dma_start3A_38 = tpu.memref_slice %arg8[%add3A_15, %dma_start3A_37] : memref<10240x128xf32, #tpu.memory_space<vmem_shared>> -> memref<128x128xf32, #tpu.memory_space<vmem_shared>>
      tpu.enqueue_dma source(%arg11 : memref<128x128xf32, #tpu.memory_space<vmem>>) target(%dma_start3A_38 : memref<128x128xf32, #tpu.memory_space<vmem_shared>>) target_semaphore(%run_scoped3A : memref<!tpu.dma_semaphore, #tpu.memory_space<semaphore_mem>>)
      %dma_wait3A = arith.constant 0 : i32
      %dma_wait3A_39 = tpu.memref_slice %arg8[%add3A_15, %dma_wait3A] : memref<10240x128xf32, #tpu.memory_space<vmem_shared>> -> memref<128x128xf32, #tpu.memory_space<vmem_shared>>
      %dma_wait3A_40 = arith.constant 0 : i32
      %dma_wait3A_41 = tpu.memref_slice %arg8[%add3A_15, %dma_wait3A_40] : memref<10240x128xf32, #tpu.memory_space<vmem_shared>> -> memref<128x128xf32, #tpu.memory_space<vmem_shared>>
      tpu.wait_dma2 semaphore(%run_scoped3A : memref<!tpu.dma_semaphore, #tpu.memory_space<semaphore_mem>>) src(%arg11 : memref<128x128xf32, #tpu.memory_space<vmem>>) dst(%dma_wait3A_41 : memref<128x128xf32, #tpu.memory_space<vmem_shared>>)
      tpu.yield
    }) : () -> ()
    %barrier3A = arith.constant 0 : index
    tpu.barrier barrier_id(%barrier3A)
    %mul3A_16 = arith.constant 157 : i32
    %mul3A_17 = arith.muli %arg1, %mul3A_16 : i32
    %eq3A = arith.constant 0 : i32
    %eq3A_18 = arith.cmpi eq, %arg0, %eq3A : i32
    %convert_element_type3A = arith.extui %eq3A_18 : i1 to i32
    %cond3A = arith.constant 0 : i32
    %cond3A_19 = arith.cmpi ne, %convert_element_type3A, %cond3A : i32
    scf.if %cond3A_19 {
      %scan3A_36 = arith.constant 0 : i32
      %scan3A_37 = arith.constant 0 : i32
      %scan3A_38 = arith.constant 157 : i32
      %scan3A_39 = arith.addi %scan3A_37, %scan3A_38 : i32
      %scan3A_40 = arith.constant 1 : i32
      %scan3A_41 = scf.for %scan3A_43 = %scan3A_37 to %scan3A_39 step %scan3A_40 iter_args(%scan3A_44 = %scan3A_36) -> (i32)  : i32 {
        %add3A_45 = arith.addi %mul3A_17, %scan3A_43 : i32
        %mul3A_46 = arith.constant 128 : i32
        %mul3A_47 = arith.muli %add3A_45, %mul3A_46 : i32
        %run_scoped3A = arith.constant 0 : i32
        "tpu.region"() ({
          %run_scoped3A_63 = tpu.sem_alloc : memref<!tpu.dma_semaphore, #tpu.memory_space<semaphore_mem>>
          %dma_start3A_64 = arith.constant 0 : i32
          %dma_start3A_65 = tpu.memref_slice %arg9[%run_scoped3A, %dma_start3A_64] : memref<1x128xi32, #tpu.memory_space<vmem>> -> memref<1x128xi32, #tpu.memory_space<vmem>>
          %dma_start3A_66 = tpu.memref_squeeze %dma_start3A_65 : memref<1x128xi32, #tpu.memory_space<vmem>> -> memref<128xi32, #tpu.memory_space<vmem>>
          %dma_start3A_67 = tpu.memref_slice %arg3[%mul3A_47] : memref<321536xi32, #tpu.memory_space<hbm>> -> memref<128xi32, #tpu.memory_space<hbm>>
          %dma_start3A_68 = arith.constant 0 : i32
          %dma_start3A_69 = tpu.memref_slice %arg9[%run_scoped3A, %dma_start3A_68] : memref<1x128xi32, #tpu.memory_space<vmem>> -> memref<1x128xi32, #tpu.memory_space<vmem>>
          %dma_start3A_70 = tpu.memref_squeeze %dma_start3A_69 : memref<1x128xi32, #tpu.memory_space<vmem>> -> memref<128xi32, #tpu.memory_space<vmem>>
          %dma_start3A_71 = tpu.memref_slice %arg3[%mul3A_47] : memref<321536xi32, #tpu.memory_space<hbm>> -> memref<128xi32, #tpu.memory_space<hbm>>
          tpu.enqueue_dma source(%dma_start3A_71 : memref<128xi32, #tpu.memory_space<hbm>>) target(%dma_start3A_70 : memref<128xi32, #tpu.memory_space<vmem>>) target_semaphore(%run_scoped3A_63 : memref<!tpu.dma_semaphore, #tpu.memory_space<semaphore_mem>>)
          %dma_wait3A_72 = arith.constant 0 : i32
          %dma_wait3A_73 = tpu.memref_slice %arg9[%run_scoped3A, %dma_wait3A_72] : memref<1x128xi32, #tpu.memory_space<vmem>> -> memref<1x128xi32, #tpu.memory_space<vmem>>
          %dma_wait3A_74 = tpu.memref_squeeze %dma_wait3A_73 : memref<1x128xi32, #tpu.memory_space<vmem>> -> memref<128xi32, #tpu.memory_space<vmem>>
          %dma_wait3A_75 = tpu.memref_slice %arg3[%mul3A_47] : memref<321536xi32, #tpu.memory_space<hbm>> -> memref<128xi32, #tpu.memory_space<hbm>>
          %dma_wait3A_76 = arith.constant 0 : i32
          %dma_wait3A_77 = tpu.memref_slice %arg9[%run_scoped3A, %dma_wait3A_76] : memref<1x128xi32, #tpu.memory_space<vmem>> -> memref<1x128xi32, #tpu.memory_space<vmem>>
          %dma_wait3A_78 = tpu.memref_squeeze %dma_wait3A_77 : memref<1x128xi32, #tpu.memory_space<vmem>> -> memref<128xi32, #tpu.memory_space<vmem>>
          %dma_wait3A_79 = tpu.memref_slice %arg3[%mul3A_47] : memref<321536xi32, #tpu.memory_space<hbm>> -> memref<128xi32, #tpu.memory_space<hbm>>
          tpu.wait_dma2 semaphore(%run_scoped3A_63 : memref<!tpu.dma_semaphore, #tpu.memory_space<semaphore_mem>>) src(%dma_wait3A_79 : memref<128xi32, #tpu.memory_space<hbm>>) dst(%dma_wait3A_78 : memref<128xi32, #tpu.memory_space<vmem>>)
          tpu.yield
        }) : () -> ()
        %run_scoped3A_48 = arith.constant 0 : i32
        "tpu.region"() ({
          %run_scoped3A_63 = tpu.sem_alloc : memref<!tpu.dma_semaphore, #tpu.memory_space<semaphore_mem>>
          %dma_start3A_64 = arith.constant 0 : i32
          %dma_start3A_65 = tpu.memref_slice %arg10[%run_scoped3A_48, %dma_start3A_64] : memref<1x128xi32, #tpu.memory_space<vmem>> -> memref<1x128xi32, #tpu.memory_space<vmem>>
          %dma_start3A_66 = tpu.memref_squeeze %dma_start3A_65 : memref<1x128xi32, #tpu.memory_space<vmem>> -> memref<128xi32, #tpu.memory_space<vmem>>
          %dma_start3A_67 = tpu.memref_slice %arg4[%mul3A_47] : memref<321536xi32, #tpu.memory_space<hbm>> -> memref<128xi32, #tpu.memory_space<hbm>>
          %dma_start3A_68 = arith.constant 0 : i32
          %dma_start3A_69 = tpu.memref_slice %arg10[%run_scoped3A_48, %dma_start3A_68] : memref<1x128xi32, #tpu.memory_space<vmem>> -> memref<1x128xi32, #tpu.memory_space<vmem>>
          %dma_start3A_70 = tpu.memref_squeeze %dma_start3A_69 : memref<1x128xi32, #tpu.memory_space<vmem>> -> memref<128xi32, #tpu.memory_space<vmem>>
          %dma_start3A_71 = tpu.memref_slice %arg4[%mul3A_47] : memref<321536xi32, #tpu.memory_space<hbm>> -> memref<128xi32, #tpu.memory_space<hbm>>
          tpu.enqueue_dma source(%dma_start3A_71 : memref<128xi32, #tpu.memory_space<hbm>>) target(%dma_start3A_70 : memref<128xi32, #tpu.memory_space<vmem>>) target_semaphore(%run_scoped3A_63 : memref<!tpu.dma_semaphore, #tpu.memory_space<semaphore_mem>>)
          %dma_wait3A_72 = arith.constant 0 : i32
          %dma_wait3A_73 = tpu.memref_slice %arg10[%run_scoped3A_48, %dma_wait3A_72] : memref<1x128xi32, #tpu.memory_space<vmem>> -> memref<1x128xi32, #tpu.memory_space<vmem>>
          %dma_wait3A_74 = tpu.memref_squeeze %dma_wait3A_73 : memref<1x128xi32, #tpu.memory_space<vmem>> -> memref<128xi32, #tpu.memory_space<vmem>>
          %dma_wait3A_75 = tpu.memref_slice %arg4[%mul3A_47] : memref<321536xi32, #tpu.memory_space<hbm>> -> memref<128xi32, #tpu.memory_space<hbm>>
          %dma_wait3A_76 = arith.constant 0 : i32
          %dma_wait3A_77 = tpu.memref_slice %arg10[%run_scoped3A_48, %dma_wait3A_76] : memref<1x128xi32, #tpu.memory_space<vmem>> -> memref<1x128xi32, #tpu.memory_space<vmem>>
          %dma_wait3A_78 = tpu.memref_squeeze %dma_wait3A_77 : memref<1x128xi32, #tpu.memory_space<vmem>> -> memref<128xi32, #tpu.memory_space<vmem>>
          %dma_wait3A_79 = tpu.memref_slice %arg4[%mul3A_47] : memref<321536xi32, #tpu.memory_space<hbm>> -> memref<128xi32, #tpu.memory_space<hbm>>
          tpu.wait_dma2 semaphore(%run_scoped3A_63 : memref<!tpu.dma_semaphore, #tpu.memory_space<semaphore_mem>>) src(%dma_wait3A_79 : memref<128xi32, #tpu.memory_space<hbm>>) dst(%dma_wait3A_78 : memref<128xi32, #tpu.memory_space<vmem>>)
          tpu.yield
        }) : () -> ()
        %dma_start3A = arith.constant 0 : i32
        %dma_start3A_49 = arith.constant 0 : i32
        %dma_start3A_50 = tpu.memref_slice %arg9[%dma_start3A, %dma_start3A_49] : memref<1x128xi32, #tpu.memory_space<vmem>> -> memref<1x128xi32, #tpu.memory_space<vmem>>
        %dma_start3A_51 = tpu.memref_squeeze %dma_start3A_50 : memref<1x128xi32, #tpu.memory_space<vmem>> -> memref<128xi32, #tpu.memory_space<vmem>>
        %dma_start3A_52 = arith.constant 0 : i32
        %dma_start3A_53 = arith.constant 0 : i32
        %dma_start3A_54 = tpu.memref_slice %arg2[%dma_start3A_52, %dma_start3A_53] : memref<10000x128xf32, #tpu.memory_space<hbm>> -> memref<10000x128xf32, #tpu.memory_space<hbm>>
        tpu.enqueue_indirect_dma source(%dma_start3A_54 : memref<10000x128xf32, #tpu.memory_space<hbm>>) target(%arg11 : memref<128x128xf32, #tpu.memory_space<vmem>>) offsets(%dma_start3A_51 : memref<128xi32, #tpu.memory_space<vmem>>) semaphore(%arg13 : memref<!tpu.dma_semaphore, #tpu.memory_space<semaphore_mem>>)
        %dma_wait3A = arith.constant 0 : i32
        %dma_wait3A_55 = arith.constant 0 : i32
        %dma_wait3A_56 = tpu.memref_slice %arg9[%dma_wait3A, %dma_wait3A_55] : memref<1x128xi32, #tpu.memory_space<vmem>> -> memref<1x128xi32, #tpu.memory_space<vmem>>
        %dma_wait3A_57 = tpu.memref_squeeze %dma_wait3A_56 : memref<1x128xi32, #tpu.memory_space<vmem>> -> memref<128xi32, #tpu.memory_space<vmem>>
        %dma_wait3A_58 = arith.constant 0 : i32
        %dma_wait3A_59 = arith.constant 0 : i32
        %dma_wait3A_60 = tpu.memref_slice %arg2[%dma_wait3A_58, %dma_wait3A_59] : memref<10000x128xf32, #tpu.memory_space<hbm>> -> memref<10000x128xf32, #tpu.memory_space<hbm>>
        tpu.wait_indirect_dma semaphore(%arg13 : memref<!tpu.dma_semaphore, #tpu.memory_space<semaphore_mem>>) src(%dma_wait3A_60 : memref<10000x128xf32, #tpu.memory_space<hbm>>) dst(%arg11 : memref<128x128xf32, #tpu.memory_space<vmem>>)
        %run_scoped3A_61 = arith.constant 0 : i32
        "tpu.region"() ({
          %run_scoped3A_63 = tpu.sem_alloc : memref<!tpu.dma_semaphore, #tpu.memory_space<semaphore_mem>>
          %dma_start3A_64 = arith.constant 0 : i32
          %dma_start3A_65 = tpu.memref_slice %arg10[%run_scoped3A_61, %dma_start3A_64] : memref<1x128xi32, #tpu.memory_space<vmem>> -> memref<1x128xi32, #tpu.memory_space<vmem>>
          %dma_start3A_66 = tpu.memref_squeeze %dma_start3A_65 : memref<1x128xi32, #tpu.memory_space<vmem>> -> memref<128xi32, #tpu.memory_space<vmem>>
          %dma_start3A_67 = arith.constant 0 : i32
          %dma_start3A_68 = arith.constant 0 : i32
          %dma_start3A_69 = tpu.memref_slice %arg8[%dma_start3A_67, %dma_start3A_68] : memref<10240x128xf32, #tpu.memory_space<vmem_shared>> -> memref<10240x128xf32, #tpu.memory_space<vmem_shared>>
          tpu.enqueue_indirect_dma source(%arg11 : memref<128x128xf32, #tpu.memory_space<vmem>>) target(%dma_start3A_69 : memref<10240x128xf32, #tpu.memory_space<vmem_shared>>) offsets(%dma_start3A_66 : memref<128xi32, #tpu.memory_space<vmem>>) semaphore(%run_scoped3A_63 : memref<!tpu.dma_semaphore, #tpu.memory_space<semaphore_mem>>) {add = true}
          %dma_wait3A_70 = arith.constant 0 : i32
          %dma_wait3A_71 = tpu.memref_slice %arg10[%run_scoped3A_61, %dma_wait3A_70] : memref<1x128xi32, #tpu.memory_space<vmem>> -> memref<1x128xi32, #tpu.memory_space<vmem>>
          %dma_wait3A_72 = tpu.memref_squeeze %dma_wait3A_71 : memref<1x128xi32, #tpu.memory_space<vmem>> -> memref<128xi32, #tpu.memory_space<vmem>>
          %dma_wait3A_73 = arith.constant 0 : i32
          %dma_wait3A_74 = arith.constant 0 : i32
          %dma_wait3A_75 = tpu.memref_slice %arg8[%dma_wait3A_73, %dma_wait3A_74] : memref<10240x128xf32, #tpu.memory_space<vmem_shared>> -> memref<10240x128xf32, #tpu.memory_space<vmem_shared>>
          tpu.wait_indirect_dma semaphore(%run_scoped3A_63 : memref<!tpu.dma_semaphore, #tpu.memory_space<semaphore_mem>>) src(%arg11 : memref<128x128xf32, #tpu.memory_space<vmem>>) dst(%dma_wait3A_75 : memref<10240x128xf32, #tpu.memory_space<vmem_shared>>)
          tpu.yield
        }) : () -> ()
        %scan3A_62 = arith.constant 0 : i32
        scf.yield %scan3A_62 : i32
      }
      %scan3A_42 = arith.constant 157 : i32
    } else {
    }
    %eq3A_20 = arith.constant 1 : i32
    %eq3A_21 = arith.cmpi eq, %arg0, %eq3A_20 : i32
    %convert_element_type3A_22 = arith.extui %eq3A_21 : i1 to i32
    %cond3A_23 = arith.constant 0 : i32
    %cond3A_24 = arith.cmpi ne, %convert_element_type3A_22, %cond3A_23 : i32
    scf.if %cond3A_24 {
      %scan3A_36 = arith.constant 0 : i32
      %scan3A_37 = arith.constant 0 : i32
      %scan3A_38 = arith.constant 157 : i32
      %scan3A_39 = arith.addi %scan3A_37, %scan3A_38 : i32
      %scan3A_40 = arith.constant 1 : i32
      %scan3A_41 = scf.for %scan3A_43 = %scan3A_37 to %scan3A_39 step %scan3A_40 iter_args(%scan3A_44 = %scan3A_36) -> (i32)  : i32 {
        %add3A_45 = arith.addi %mul3A_17, %scan3A_43 : i32
        %mul3A_46 = arith.constant 128 : i32
        %mul3A_47 = arith.muli %add3A_45, %mul3A_46 : i32
        %run_scoped3A = arith.constant 0 : i32
        "tpu.region"() ({
          %run_scoped3A_59 = tpu.sem_alloc : memref<!tpu.dma_semaphore, #tpu.memory_space<semaphore_mem>>
          %dma_start3A = arith.constant 0 : i32
          %dma_start3A_60 = tpu.memref_slice %arg10[%run_scoped3A, %dma_start3A] : memref<1x128xi32, #tpu.memory_space<vmem>> -> memref<1x128xi32, #tpu.memory_space<vmem>>
          %dma_start3A_61 = tpu.memref_squeeze %dma_start3A_60 : memref<1x128xi32, #tpu.memory_space<vmem>> -> memref<128xi32, #tpu.memory_space<vmem>>
          %dma_start3A_62 = tpu.memref_slice %arg4[%mul3A_47] : memref<321536xi32, #tpu.memory_space<hbm>> -> memref<128xi32, #tpu.memory_space<hbm>>
          %dma_start3A_63 = arith.constant 0 : i32
          %dma_start3A_64 = tpu.memref_slice %arg10[%run_scoped3A, %dma_start3A_63] : memref<1x128xi32, #tpu.memory_space<vmem>> -> memref<1x128xi32, #tpu.memory_space<vmem>>
          %dma_start3A_65 = tpu.memref_squeeze %dma_start3A_64 : memref<1x128xi32, #tpu.memory_space<vmem>> -> memref<128xi32, #tpu.memory_space<vmem>>
          %dma_start3A_66 = tpu.memref_slice %arg4[%mul3A_47] : memref<321536xi32, #tpu.memory_space<hbm>> -> memref<128xi32, #tpu.memory_space<hbm>>
          tpu.enqueue_dma source(%dma_start3A_66 : memref<128xi32, #tpu.memory_space<hbm>>) target(%dma_start3A_65 : memref<128xi32, #tpu.memory_space<vmem>>) target_semaphore(%run_scoped3A_59 : memref<!tpu.dma_semaphore, #tpu.memory_space<semaphore_mem>>)
          %dma_wait3A = arith.constant 0 : i32
          %dma_wait3A_67 = tpu.memref_slice %arg10[%run_scoped3A, %dma_wait3A] : memref<1x128xi32, #tpu.memory_space<vmem>> -> memref<1x128xi32, #tpu.memory_space<vmem>>
          %dma_wait3A_68 = tpu.memref_squeeze %dma_wait3A_67 : memref<1x128xi32, #tpu.memory_space<vmem>> -> memref<128xi32, #tpu.memory_space<vmem>>
          %dma_wait3A_69 = tpu.memref_slice %arg4[%mul3A_47] : memref<321536xi32, #tpu.memory_space<hbm>> -> memref<128xi32, #tpu.memory_space<hbm>>
          %dma_wait3A_70 = arith.constant 0 : i32
          %dma_wait3A_71 = tpu.memref_slice %arg10[%run_scoped3A, %dma_wait3A_70] : memref<1x128xi32, #tpu.memory_space<vmem>> -> memref<1x128xi32, #tpu.memory_space<vmem>>
          %dma_wait3A_72 = tpu.memref_squeeze %dma_wait3A_71 : memref<1x128xi32, #tpu.memory_space<vmem>> -> memref<128xi32, #tpu.memory_space<vmem>>
          %dma_wait3A_73 = tpu.memref_slice %arg4[%mul3A_47] : memref<321536xi32, #tpu.memory_space<hbm>> -> memref<128xi32, #tpu.memory_space<hbm>>
          tpu.wait_dma2 semaphore(%run_scoped3A_59 : memref<!tpu.dma_semaphore, #tpu.memory_space<semaphore_mem>>) src(%dma_wait3A_73 : memref<128xi32, #tpu.memory_space<hbm>>) dst(%dma_wait3A_72 : memref<128xi32, #tpu.memory_space<vmem>>)
          tpu.yield
        }) : () -> ()
        %mul3A_48 = arith.constant 16 : i32
        %mul3A_49 = arith.muli %mul3A_47, %mul3A_48 : i32
        "tpu.region"() ({
          %run_scoped3A_59 = tpu.sem_alloc : memref<!tpu.dma_semaphore, #tpu.memory_space<semaphore_mem>>
          %dma_start3A = tpu.memref_slice %arg5[%mul3A_49] : memref<5144576xf32, #tpu.memory_space<hbm>> -> memref<2048xf32, #tpu.memory_space<hbm>>
          %dma_start3A_60 = tpu.memref_slice %arg5[%mul3A_49] : memref<5144576xf32, #tpu.memory_space<hbm>> -> memref<2048xf32, #tpu.memory_space<hbm>>
          tpu.enqueue_dma source(%dma_start3A_60 : memref<2048xf32, #tpu.memory_space<hbm>>) target(%arg12 : memref<2048xf32, #tpu.memory_space<vmem>>) target_semaphore(%run_scoped3A_59 : memref<!tpu.dma_semaphore, #tpu.memory_space<semaphore_mem>>)
          %dma_wait3A = tpu.memref_slice %arg5[%mul3A_49] : memref<5144576xf32, #tpu.memory_space<hbm>> -> memref<2048xf32, #tpu.memory_space<hbm>>
          %dma_wait3A_61 = tpu.memref_slice %arg5[%mul3A_49] : memref<5144576xf32, #tpu.memory_space<hbm>> -> memref<2048xf32, #tpu.memory_space<hbm>>
          tpu.wait_dma2 semaphore(%run_scoped3A_59 : memref<!tpu.dma_semaphore, #tpu.memory_space<semaphore_mem>>) src(%dma_wait3A_61 : memref<2048xf32, #tpu.memory_space<hbm>>) dst(%arg12 : memref<2048xf32, #tpu.memory_space<vmem>>)
          tpu.yield
        }) : () -> ()
        %scan3A_50 = arith.constant 0 : i32
        %scan3A_51 = arith.constant 0 : i32
        %scan3A_52 = arith.constant 128 : i32
        %scan3A_53 = arith.addi %scan3A_51, %scan3A_52 : i32
        %scan3A_54 = arith.constant 1 : i32
        %scan3A_55 = scf.for %scan3A_59 = %scan3A_51 to %scan3A_53 step %scan3A_54 iter_args(%scan3A_60 = %scan3A_50) -> (i32)  : i32 {
          %mul3A_61 = arith.constant 16 : i32
          %mul3A_62 = arith.muli %scan3A_59, %mul3A_61 : i32
          %get3A = arith.index_cast %mul3A_62 : i32 to index
          %get3A_63 = tpu.vector_load %arg12[%get3A] {strides = array<i32>} : memref<2048xf32, #tpu.memory_space<vmem>>, vector<16xf32>,
          %get3A_64 = vector.shape_cast %get3A_63 : vector<16xf32> to vector<16xf32>
          %swap3A = arith.index_cast %scan3A_59 : i32 to index
          %swap3A_65 = arith.constant 0 : index
          %swap3A_66 = tpu.vector_load %arg11[%swap3A, %swap3A_65] {strides = array<i32>} : memref<128x128xf32, #tpu.memory_space<vmem>>, vector<1x16xf32>,
          %swap3A_67 = vector.shape_cast %swap3A_66 : vector<1x16xf32> to vector<16xf32>
          %swap3A_68 = vector.shape_cast %get3A_64 : vector<16xf32> to vector<1x16xf32>
          tpu.vector_store %arg11[%swap3A, %swap3A_65], %swap3A_68 {strides = array<i32>} : memref<128x128xf32, #tpu.memory_space<vmem>>, vector<1x16xf32>,
          %scan3A_69 = arith.constant 0 : i32
          scf.yield %scan3A_69 : i32
        }
        %scan3A_56 = arith.constant 128 : i32
        %run_scoped3A_57 = arith.constant 0 : i32
        "tpu.region"() ({
          %run_scoped3A_59 = tpu.sem_alloc : memref<!tpu.dma_semaphore, #tpu.memory_space<semaphore_mem>>
          %dma_start3A = arith.constant 0 : i32
          %dma_start3A_60 = tpu.memref_slice %arg10[%run_scoped3A_57, %dma_start3A] : memref<1x128xi32, #tpu.memory_space<vmem>> -> memref<1x128xi32, #tpu.memory_space<vmem>>
          %dma_start3A_61 = tpu.memref_squeeze %dma_start3A_60 : memref<1x128xi32, #tpu.memory_space<vmem>> -> memref<128xi32, #tpu.memory_space<vmem>>
          %dma_start3A_62 = arith.constant 0 : i32
          %dma_start3A_63 = arith.constant 0 : i32
          %dma_start3A_64 = tpu.memref_slice %arg8[%dma_start3A_62, %dma_start3A_63] : memref<10240x128xf32, #tpu.memory_space<vmem_shared>> -> memref<10240x128xf32, #tpu.memory_space<vmem_shared>>
          tpu.enqueue_indirect_dma source(%arg11 : memref<128x128xf32, #tpu.memory_space<vmem>>) target(%dma_start3A_64 : memref<10240x128xf32, #tpu.memory_space<vmem_shared>>) offsets(%dma_start3A_61 : memref<128xi32, #tpu.memory_space<vmem>>) semaphore(%run_scoped3A_59 : memref<!tpu.dma_semaphore, #tpu.memory_space<semaphore_mem>>) {add = true}
          %dma_wait3A = arith.constant 0 : i32
          %dma_wait3A_65 = tpu.memref_slice %arg10[%run_scoped3A_57, %dma_wait3A] : memref<1x128xi32, #tpu.memory_space<vmem>> -> memref<1x128xi32, #tpu.memory_space<vmem>>
          %dma_wait3A_66 = tpu.memref_squeeze %dma_wait3A_65 : memref<1x128xi32, #tpu.memory_space<vmem>> -> memref<128xi32, #tpu.memory_space<vmem>>
          %dma_wait3A_67 = arith.constant 0 : i32
          %dma_wait3A_68 = arith.constant 0 : i32
          %dma_wait3A_69 = tpu.memref_slice %arg8[%dma_wait3A_67, %dma_wait3A_68] : memref<10240x128xf32, #tpu.memory_space<vmem_shared>> -> memref<10240x128xf32, #tpu.memory_space<vmem_shared>>
          tpu.wait_indirect_dma semaphore(%run_scoped3A_59 : memref<!tpu.dma_semaphore, #tpu.memory_space<semaphore_mem>>) src(%arg11 : memref<128x128xf32, #tpu.memory_space<vmem>>) dst(%dma_wait3A_69 : memref<10240x128xf32, #tpu.memory_space<vmem_shared>>)
          tpu.yield
        }) : () -> ()
        %scan3A_58 = arith.constant 0 : i32
        scf.yield %scan3A_58 : i32
      }
      %scan3A_42 = arith.constant 157 : i32
    } else {
    }
    %barrier3A_25 = arith.constant 0 : index
    tpu.barrier barrier_id(%barrier3A_25)
    %eq3A_26 = arith.constant 0 : i32
    %eq3A_27 = arith.cmpi eq, %arg0, %eq3A_26 : i32
    %convert_element_type3A_28 = arith.extui %eq3A_27 : i1 to i32
    %cond3A_29 = arith.constant 0 : i32
    %cond3A_30 = arith.cmpi ne, %convert_element_type3A_28, %cond3A_29 : i32
    scf.if %cond3A_30 {
      %add3A_36 = arith.constant 0 : i32
      %add3A_37 = arith.addi %mul3A_6, %add3A_36 : i32
      "tpu.region"() ({
        %run_scoped3A = tpu.sem_alloc : memref<!tpu.dma_semaphore, #tpu.memory_space<semaphore_mem>>
        %dma_start3A = arith.constant 0 : i32
        %dma_start3A_46 = tpu.memref_slice %arg8[%add3A_37, %dma_start3A] : memref<10240x128xf32, #tpu.memory_space<vmem_shared>> -> memref<128x128xf32, #tpu.memory_space<vmem_shared>>
        %dma_start3A_47 = arith.constant 0 : i32
        %dma_start3A_48 = tpu.memref_slice %arg8[%add3A_37, %dma_start3A_47] : memref<10240x128xf32, #tpu.memory_space<vmem_shared>> -> memref<128x128xf32, #tpu.memory_space<vmem_shared>>
        tpu.enqueue_dma source(%dma_start3A_48 : memref<128x128xf32, #tpu.memory_space<vmem_shared>>) target(%arg11 : memref<128x128xf32, #tpu.memory_space<vmem>>) target_semaphore(%run_scoped3A : memref<!tpu.dma_semaphore, #tpu.memory_space<semaphore_mem>>)
        %dma_wait3A = arith.constant 0 : i32
        %dma_wait3A_49 = tpu.memref_slice %arg8[%add3A_37, %dma_wait3A] : memref<10240x128xf32, #tpu.memory_space<vmem_shared>> -> memref<128x128xf32, #tpu.memory_space<vmem_shared>>
        %dma_wait3A_50 = arith.constant 0 : i32
        %dma_wait3A_51 = tpu.memref_slice %arg8[%add3A_37, %dma_wait3A_50] : memref<10240x128xf32, #tpu.memory_space<vmem_shared>> -> memref<128x128xf32, #tpu.memory_space<vmem_shared>>
        tpu.wait_dma2 semaphore(%run_scoped3A : memref<!tpu.dma_semaphore, #tpu.memory_space<semaphore_mem>>) src(%dma_wait3A_51 : memref<128x128xf32, #tpu.memory_space<vmem_shared>>) dst(%arg11 : memref<128x128xf32, #tpu.memory_space<vmem>>)
        tpu.yield
      }) : () -> ()
      "tpu.region"() ({
        %run_scoped3A = tpu.sem_alloc : memref<!tpu.dma_semaphore, #tpu.memory_space<semaphore_mem>>
        %dma_start3A = arith.constant 0 : i32
        %dma_start3A_46 = tpu.memref_slice %arg6[%add3A_37, %dma_start3A] : memref<10240x128xf32, #tpu.memory_space<hbm>> -> memref<128x128xf32, #tpu.memory_space<hbm>>
        %dma_start3A_47 = arith.constant 0 : i32
        %dma_start3A_48 = tpu.memref_slice %arg6[%add3A_37, %dma_start3A_47] : memref<10240x128xf32, #tpu.memory_space<hbm>> -> memref<128x128xf32, #tpu.memory_space<hbm>>
        tpu.enqueue_dma source(%arg11 : memref<128x128xf32, #tpu.memory_space<vmem>>) target(%dma_start3A_48 : memref<128x128xf32, #tpu.memory_space<hbm>>) target_semaphore(%run_scoped3A : memref<!tpu.dma_semaphore, #tpu.memory_space<semaphore_mem>>)
        %dma_wait3A = arith.constant 0 : i32
        %dma_wait3A_49 = tpu.memref_slice %arg6[%add3A_37, %dma_wait3A] : memref<10240x128xf32, #tpu.memory_space<hbm>> -> memref<128x128xf32, #tpu.memory_space<hbm>>
        %dma_wait3A_50 = arith.constant 0 : i32
        %dma_wait3A_51 = tpu.memref_slice %arg6[%add3A_37, %dma_wait3A_50] : memref<10240x128xf32, #tpu.memory_space<hbm>> -> memref<128x128xf32, #tpu.memory_space<hbm>>
        tpu.wait_dma2 semaphore(%run_scoped3A : memref<!tpu.dma_semaphore, #tpu.memory_space<semaphore_mem>>) src(%arg11 : memref<128x128xf32, #tpu.memory_space<vmem>>) dst(%dma_wait3A_51 : memref<128x128xf32, #tpu.memory_space<hbm>>)
        tpu.yield
      }) : () -> ()
      %add3A_38 = arith.constant 128 : i32
      %add3A_39 = arith.addi %mul3A_6, %add3A_38 : i32
      "tpu.region"() ({
        %run_scoped3A = tpu.sem_alloc : memref<!tpu.dma_semaphore, #tpu.memory_space<semaphore_mem>>
        %dma_start3A = arith.constant 0 : i32
        %dma_start3A_46 = tpu.memref_slice %arg8[%add3A_39, %dma_start3A] : memref<10240x128xf32, #tpu.memory_space<vmem_shared>> -> memref<128x128xf32, #tpu.memory_space<vmem_shared>>
        %dma_start3A_47 = arith.constant 0 : i32
        %dma_start3A_48 = tpu.memref_slice %arg8[%add3A_39, %dma_start3A_47] : memref<10240x128xf32, #tpu.memory_space<vmem_shared>> -> memref<128x128xf32, #tpu.memory_space<vmem_shared>>
        tpu.enqueue_dma source(%dma_start3A_48 : memref<128x128xf32, #tpu.memory_space<vmem_shared>>) target(%arg11 : memref<128x128xf32, #tpu.memory_space<vmem>>) target_semaphore(%run_scoped3A : memref<!tpu.dma_semaphore, #tpu.memory_space<semaphore_mem>>)
        %dma_wait3A = arith.constant 0 : i32
        %dma_wait3A_49 = tpu.memref_slice %arg8[%add3A_39, %dma_wait3A] : memref<10240x128xf32, #tpu.memory_space<vmem_shared>> -> memref<128x128xf32, #tpu.memory_space<vmem_shared>>
        %dma_wait3A_50 = arith.constant 0 : i32
        %dma_wait3A_51 = tpu.memref_slice %arg8[%add3A_39, %dma_wait3A_50] : memref<10240x128xf32, #tpu.memory_space<vmem_shared>> -> memref<128x128xf32, #tpu.memory_space<vmem_shared>>
        tpu.wait_dma2 semaphore(%run_scoped3A : memref<!tpu.dma_semaphore, #tpu.memory_space<semaphore_mem>>) src(%dma_wait3A_51 : memref<128x128xf32, #tpu.memory_space<vmem_shared>>) dst(%arg11 : memref<128x128xf32, #tpu.memory_space<vmem>>)
        tpu.yield
      }) : () -> ()
      "tpu.region"() ({
        %run_scoped3A = tpu.sem_alloc : memref<!tpu.dma_semaphore, #tpu.memory_space<semaphore_mem>>
        %dma_start3A = arith.constant 0 : i32
        %dma_start3A_46 = tpu.memref_slice %arg6[%add3A_39, %dma_start3A] : memref<10240x128xf32, #tpu.memory_space<hbm>> -> memref<128x128xf32, #tpu.memory_space<hbm>>
        %dma_start3A_47 = arith.constant 0 : i32
        %dma_start3A_48 = tpu.memref_slice %arg6[%add3A_39, %dma_start3A_47] : memref<10240x128xf32, #tpu.memory_space<hbm>> -> memref<128x128xf32, #tpu.memory_space<hbm>>
        tpu.enqueue_dma source(%arg11 : memref<128x128xf32, #tpu.memory_space<vmem>>) target(%dma_start3A_48 : memref<128x128xf32, #tpu.memory_space<hbm>>) target_semaphore(%run_scoped3A : memref<!tpu.dma_semaphore, #tpu.memory_space<semaphore_mem>>)
        %dma_wait3A = arith.constant 0 : i32
        %dma_wait3A_49 = tpu.memref_slice %arg6[%add3A_39, %dma_wait3A] : memref<10240x128xf32, #tpu.memory_space<hbm>> -> memref<128x128xf32, #tpu.memory_space<hbm>>
        %dma_wait3A_50 = arith.constant 0 : i32
        %dma_wait3A_51 = tpu.memref_slice %arg6[%add3A_39, %dma_wait3A_50] : memref<10240x128xf32, #tpu.memory_space<hbm>> -> memref<128x128xf32, #tpu.memory_space<hbm>>
        tpu.wait_dma2 semaphore(%run_scoped3A : memref<!tpu.dma_semaphore, #tpu.memory_space<semaphore_mem>>) src(%arg11 : memref<128x128xf32, #tpu.memory_space<vmem>>) dst(%dma_wait3A_51 : memref<128x128xf32, #tpu.memory_space<hbm>>)
        tpu.yield
      }) : () -> ()
      %add3A_40 = arith.constant 256 : i32
      %add3A_41 = arith.addi %mul3A_6, %add3A_40 : i32
      "tpu.region"() ({
        %run_scoped3A = tpu.sem_alloc : memref<!tpu.dma_semaphore, #tpu.memory_space<semaphore_mem>>
        %dma_start3A = arith.constant 0 : i32
        %dma_start3A_46 = tpu.memref_slice %arg8[%add3A_41, %dma_start3A] : memref<10240x128xf32, #tpu.memory_space<vmem_shared>> -> memref<128x128xf32, #tpu.memory_space<vmem_shared>>
        %dma_start3A_47 = arith.constant 0 : i32
        %dma_start3A_48 = tpu.memref_slice %arg8[%add3A_41, %dma_start3A_47] : memref<10240x128xf32, #tpu.memory_space<vmem_shared>> -> memref<128x128xf32, #tpu.memory_space<vmem_shared>>
        tpu.enqueue_dma source(%dma_start3A_48 : memref<128x128xf32, #tpu.memory_space<vmem_shared>>) target(%arg11 : memref<128x128xf32, #tpu.memory_space<vmem>>) target_semaphore(%run_scoped3A : memref<!tpu.dma_semaphore, #tpu.memory_space<semaphore_mem>>)
        %dma_wait3A = arith.constant 0 : i32
        %dma_wait3A_49 = tpu.memref_slice %arg8[%add3A_41, %dma_wait3A] : memref<10240x128xf32, #tpu.memory_space<vmem_shared>> -> memref<128x128xf32, #tpu.memory_space<vmem_shared>>
        %dma_wait3A_50 = arith.constant 0 : i32
        %dma_wait3A_51 = tpu.memref_slice %arg8[%add3A_41, %dma_wait3A_50] : memref<10240x128xf32, #tpu.memory_space<vmem_shared>> -> memref<128x128xf32, #tpu.memory_space<vmem_shared>>
        tpu.wait_dma2 semaphore(%run_scoped3A : memref<!tpu.dma_semaphore, #tpu.memory_space<semaphore_mem>>) src(%dma_wait3A_51 : memref<128x128xf32, #tpu.memory_space<vmem_shared>>) dst(%arg11 : memref<128x128xf32, #tpu.memory_space<vmem>>)
        tpu.yield
      }) : () -> ()
      "tpu.region"() ({
        %run_scoped3A = tpu.sem_alloc : memref<!tpu.dma_semaphore, #tpu.memory_space<semaphore_mem>>
        %dma_start3A = arith.constant 0 : i32
        %dma_start3A_46 = tpu.memref_slice %arg6[%add3A_41, %dma_start3A] : memref<10240x128xf32, #tpu.memory_space<hbm>> -> memref<128x128xf32, #tpu.memory_space<hbm>>
        %dma_start3A_47 = arith.constant 0 : i32
        %dma_start3A_48 = tpu.memref_slice %arg6[%add3A_41, %dma_start3A_47] : memref<10240x128xf32, #tpu.memory_space<hbm>> -> memref<128x128xf32, #tpu.memory_space<hbm>>
        tpu.enqueue_dma source(%arg11 : memref<128x128xf32, #tpu.memory_space<vmem>>) target(%dma_start3A_48 : memref<128x128xf32, #tpu.memory_space<hbm>>) target_semaphore(%run_scoped3A : memref<!tpu.dma_semaphore, #tpu.memory_space<semaphore_mem>>)
        %dma_wait3A = arith.constant 0 : i32
        %dma_wait3A_49 = tpu.memref_slice %arg6[%add3A_41, %dma_wait3A] : memref<10240x128xf32, #tpu.memory_space<hbm>> -> memref<128x128xf32, #tpu.memory_space<hbm>>
        %dma_wait3A_50 = arith.constant 0 : i32
        %dma_wait3A_51 = tpu.memref_slice %arg6[%add3A_41, %dma_wait3A_50] : memref<10240x128xf32, #tpu.memory_space<hbm>> -> memref<128x128xf32, #tpu.memory_space<hbm>>
        tpu.wait_dma2 semaphore(%run_scoped3A : memref<!tpu.dma_semaphore, #tpu.memory_space<semaphore_mem>>) src(%arg11 : memref<128x128xf32, #tpu.memory_space<vmem>>) dst(%dma_wait3A_51 : memref<128x128xf32, #tpu.memory_space<hbm>>)
        tpu.yield
      }) : () -> ()
      %add3A_42 = arith.constant 384 : i32
      %add3A_43 = arith.addi %mul3A_6, %add3A_42 : i32
      "tpu.region"() ({
        %run_scoped3A = tpu.sem_alloc : memref<!tpu.dma_semaphore, #tpu.memory_space<semaphore_mem>>
        %dma_start3A = arith.constant 0 : i32
        %dma_start3A_46 = tpu.memref_slice %arg8[%add3A_43, %dma_start3A] : memref<10240x128xf32, #tpu.memory_space<vmem_shared>> -> memref<128x128xf32, #tpu.memory_space<vmem_shared>>
        %dma_start3A_47 = arith.constant 0 : i32
        %dma_start3A_48 = tpu.memref_slice %arg8[%add3A_43, %dma_start3A_47] : memref<10240x128xf32, #tpu.memory_space<vmem_shared>> -> memref<128x128xf32, #tpu.memory_space<vmem_shared>>
        tpu.enqueue_dma source(%dma_start3A_48 : memref<128x128xf32, #tpu.memory_space<vmem_shared>>) target(%arg11 : memref<128x128xf32, #tpu.memory_space<vmem>>) target_semaphore(%run_scoped3A : memref<!tpu.dma_semaphore, #tpu.memory_space<semaphore_mem>>)
        %dma_wait3A = arith.constant 0 : i32
        %dma_wait3A_49 = tpu.memref_slice %arg8[%add3A_43, %dma_wait3A] : memref<10240x128xf32, #tpu.memory_space<vmem_shared>> -> memref<128x128xf32, #tpu.memory_space<vmem_shared>>
        %dma_wait3A_50 = arith.constant 0 : i32
        %dma_wait3A_51 = tpu.memref_slice %arg8[%add3A_43, %dma_wait3A_50] : memref<10240x128xf32, #tpu.memory_space<vmem_shared>> -> memref<128x128xf32, #tpu.memory_space<vmem_shared>>
        tpu.wait_dma2 semaphore(%run_scoped3A : memref<!tpu.dma_semaphore, #tpu.memory_space<semaphore_mem>>) src(%dma_wait3A_51 : memref<128x128xf32, #tpu.memory_space<vmem_shared>>) dst(%arg11 : memref<128x128xf32, #tpu.memory_space<vmem>>)
        tpu.yield
      }) : () -> ()
      "tpu.region"() ({
        %run_scoped3A = tpu.sem_alloc : memref<!tpu.dma_semaphore, #tpu.memory_space<semaphore_mem>>
        %dma_start3A = arith.constant 0 : i32
        %dma_start3A_46 = tpu.memref_slice %arg6[%add3A_43, %dma_start3A] : memref<10240x128xf32, #tpu.memory_space<hbm>> -> memref<128x128xf32, #tpu.memory_space<hbm>>
        %dma_start3A_47 = arith.constant 0 : i32
        %dma_start3A_48 = tpu.memref_slice %arg6[%add3A_43, %dma_start3A_47] : memref<10240x128xf32, #tpu.memory_space<hbm>> -> memref<128x128xf32, #tpu.memory_space<hbm>>
        tpu.enqueue_dma source(%arg11 : memref<128x128xf32, #tpu.memory_space<vmem>>) target(%dma_start3A_48 : memref<128x128xf32, #tpu.memory_space<hbm>>) target_semaphore(%run_scoped3A : memref<!tpu.dma_semaphore, #tpu.memory_space<semaphore_mem>>)
        %dma_wait3A = arith.constant 0 : i32
        %dma_wait3A_49 = tpu.memref_slice %arg6[%add3A_43, %dma_wait3A] : memref<10240x128xf32, #tpu.memory_space<hbm>> -> memref<128x128xf32, #tpu.memory_space<hbm>>
        %dma_wait3A_50 = arith.constant 0 : i32
        %dma_wait3A_51 = tpu.memref_slice %arg6[%add3A_43, %dma_wait3A_50] : memref<10240x128xf32, #tpu.memory_space<hbm>> -> memref<128x128xf32, #tpu.memory_space<hbm>>
        tpu.wait_dma2 semaphore(%run_scoped3A : memref<!tpu.dma_semaphore, #tpu.memory_space<semaphore_mem>>) src(%arg11 : memref<128x128xf32, #tpu.memory_space<vmem>>) dst(%dma_wait3A_51 : memref<128x128xf32, #tpu.memory_space<hbm>>)
        tpu.yield
      }) : () -> ()
      %add3A_44 = arith.constant 512 : i32
      %add3A_45 = arith.addi %mul3A_6, %add3A_44 : i32
      "tpu.region"() ({
        %run_scoped3A = tpu.sem_alloc : memref<!tpu.dma_semaphore, #tpu.memory_space<semaphore_mem>>
        %dma_start3A = arith.constant 0 : i32
        %dma_start3A_46 = tpu.memref_slice %arg8[%add3A_45, %dma_start3A] : memref<10240x128xf32, #tpu.memory_space<vmem_shared>> -> memref<128x128xf32, #tpu.memory_space<vmem_shared>>
        %dma_start3A_47 = arith.constant 0 : i32
        %dma_start3A_48 = tpu.memref_slice %arg8[%add3A_45, %dma_start3A_47] : memref<10240x128xf32, #tpu.memory_space<vmem_shared>> -> memref<128x128xf32, #tpu.memory_space<vmem_shared>>
        tpu.enqueue_dma source(%dma_start3A_48 : memref<128x128xf32, #tpu.memory_space<vmem_shared>>) target(%arg11 : memref<128x128xf32, #tpu.memory_space<vmem>>) target_semaphore(%run_scoped3A : memref<!tpu.dma_semaphore, #tpu.memory_space<semaphore_mem>>)
        %dma_wait3A = arith.constant 0 : i32
        %dma_wait3A_49 = tpu.memref_slice %arg8[%add3A_45, %dma_wait3A] : memref<10240x128xf32, #tpu.memory_space<vmem_shared>> -> memref<128x128xf32, #tpu.memory_space<vmem_shared>>
        %dma_wait3A_50 = arith.constant 0 : i32
        %dma_wait3A_51 = tpu.memref_slice %arg8[%add3A_45, %dma_wait3A_50] : memref<10240x128xf32, #tpu.memory_space<vmem_shared>> -> memref<128x128xf32, #tpu.memory_space<vmem_shared>>
        tpu.wait_dma2 semaphore(%run_scoped3A : memref<!tpu.dma_semaphore, #tpu.memory_space<semaphore_mem>>) src(%dma_wait3A_51 : memref<128x128xf32, #tpu.memory_space<vmem_shared>>) dst(%arg11 : memref<128x128xf32, #tpu.memory_space<vmem>>)
        tpu.yield
      }) : () -> ()
      "tpu.region"() ({
        %run_scoped3A = tpu.sem_alloc : memref<!tpu.dma_semaphore, #tpu.memory_space<semaphore_mem>>
        %dma_start3A = arith.constant 0 : i32
        %dma_start3A_46 = tpu.memref_slice %arg6[%add3A_45, %dma_start3A] : memref<10240x128xf32, #tpu.memory_space<hbm>> -> memref<128x128xf32, #tpu.memory_space<hbm>>
        %dma_start3A_47 = arith.constant 0 : i32
        %dma_start3A_48 = tpu.memref_slice %arg6[%add3A_45, %dma_start3A_47] : memref<10240x128xf32, #tpu.memory_space<hbm>> -> memref<128x128xf32, #tpu.memory_space<hbm>>
        tpu.enqueue_dma source(%arg11 : memref<128x128xf32, #tpu.memory_space<vmem>>) target(%dma_start3A_48 : memref<128x128xf32, #tpu.memory_space<hbm>>) target_semaphore(%run_scoped3A : memref<!tpu.dma_semaphore, #tpu.memory_space<semaphore_mem>>)
        %dma_wait3A = arith.constant 0 : i32
        %dma_wait3A_49 = tpu.memref_slice %arg6[%add3A_45, %dma_wait3A] : memref<10240x128xf32, #tpu.memory_space<hbm>> -> memref<128x128xf32, #tpu.memory_space<hbm>>
        %dma_wait3A_50 = arith.constant 0 : i32
        %dma_wait3A_51 = tpu.memref_slice %arg6[%add3A_45, %dma_wait3A_50] : memref<10240x128xf32, #tpu.memory_space<hbm>> -> memref<128x128xf32, #tpu.memory_space<hbm>>
        tpu.wait_dma2 semaphore(%run_scoped3A : memref<!tpu.dma_semaphore, #tpu.memory_space<semaphore_mem>>) src(%arg11 : memref<128x128xf32, #tpu.memory_space<vmem>>) dst(%dma_wait3A_51 : memref<128x128xf32, #tpu.memory_space<hbm>>)
        tpu.yield
      }) : () -> ()
    } else {
    }
    %eq3A_31 = arith.constant 1 : i32
    %eq3A_32 = arith.cmpi eq, %arg0, %eq3A_31 : i32
    %convert_element_type3A_33 = arith.extui %eq3A_32 : i1 to i32
    %cond3A_34 = arith.constant 0 : i32
    %cond3A_35 = arith.cmpi ne, %convert_element_type3A_33, %cond3A_34 : i32
    scf.if %cond3A_35 {
      %add3A_36 = arith.constant 0 : i32
      %add3A_37 = arith.addi %mul3A_6, %add3A_36 : i32
      "tpu.region"() ({
        %run_scoped3A = tpu.sem_alloc : memref<!tpu.dma_semaphore, #tpu.memory_space<semaphore_mem>>
        %dma_start3A = arith.constant 0 : i32
        %dma_start3A_46 = tpu.memref_slice %arg8[%add3A_37, %dma_start3A] : memref<10240x128xf32, #tpu.memory_space<vmem_shared>> -> memref<128x128xf32, #tpu.memory_space<vmem_shared>>
        %dma_start3A_47 = arith.constant 0 : i32
        %dma_start3A_48 = tpu.memref_slice %arg8[%add3A_37, %dma_start3A_47] : memref<10240x128xf32, #tpu.memory_space<vmem_shared>> -> memref<128x128xf32, #tpu.memory_space<vmem_shared>>
        tpu.enqueue_dma source(%dma_start3A_48 : memref<128x128xf32, #tpu.memory_space<vmem_shared>>) target(%arg11 : memref<128x128xf32, #tpu.memory_space<vmem>>) target_semaphore(%run_scoped3A : memref<!tpu.dma_semaphore, #tpu.memory_space<semaphore_mem>>)
        %dma_wait3A = arith.constant 0 : i32
        %dma_wait3A_49 = tpu.memref_slice %arg8[%add3A_37, %dma_wait3A] : memref<10240x128xf32, #tpu.memory_space<vmem_shared>> -> memref<128x128xf32, #tpu.memory_space<vmem_shared>>
        %dma_wait3A_50 = arith.constant 0 : i32
        %dma_wait3A_51 = tpu.memref_slice %arg8[%add3A_37, %dma_wait3A_50] : memref<10240x128xf32, #tpu.memory_space<vmem_shared>> -> memref<128x128xf32, #tpu.memory_space<vmem_shared>>
        tpu.wait_dma2 semaphore(%run_scoped3A : memref<!tpu.dma_semaphore, #tpu.memory_space<semaphore_mem>>) src(%dma_wait3A_51 : memref<128x128xf32, #tpu.memory_space<vmem_shared>>) dst(%arg11 : memref<128x128xf32, #tpu.memory_space<vmem>>)
        tpu.yield
      }) : () -> ()
      "tpu.region"() ({
        %run_scoped3A = tpu.sem_alloc : memref<!tpu.dma_semaphore, #tpu.memory_space<semaphore_mem>>
        %dma_start3A = arith.constant 0 : i32
        %dma_start3A_46 = tpu.memref_slice %arg7[%add3A_37, %dma_start3A] : memref<10240x128xf32, #tpu.memory_space<hbm>> -> memref<128x128xf32, #tpu.memory_space<hbm>>
        %dma_start3A_47 = arith.constant 0 : i32
        %dma_start3A_48 = tpu.memref_slice %arg7[%add3A_37, %dma_start3A_47] : memref<10240x128xf32, #tpu.memory_space<hbm>> -> memref<128x128xf32, #tpu.memory_space<hbm>>
        tpu.enqueue_dma source(%arg11 : memref<128x128xf32, #tpu.memory_space<vmem>>) target(%dma_start3A_48 : memref<128x128xf32, #tpu.memory_space<hbm>>) target_semaphore(%run_scoped3A : memref<!tpu.dma_semaphore, #tpu.memory_space<semaphore_mem>>)
        %dma_wait3A = arith.constant 0 : i32
        %dma_wait3A_49 = tpu.memref_slice %arg7[%add3A_37, %dma_wait3A] : memref<10240x128xf32, #tpu.memory_space<hbm>> -> memref<128x128xf32, #tpu.memory_space<hbm>>
        %dma_wait3A_50 = arith.constant 0 : i32
        %dma_wait3A_51 = tpu.memref_slice %arg7[%add3A_37, %dma_wait3A_50] : memref<10240x128xf32, #tpu.memory_space<hbm>> -> memref<128x128xf32, #tpu.memory_space<hbm>>
        tpu.wait_dma2 semaphore(%run_scoped3A : memref<!tpu.dma_semaphore, #tpu.memory_space<semaphore_mem>>) src(%arg11 : memref<128x128xf32, #tpu.memory_space<vmem>>) dst(%dma_wait3A_51 : memref<128x128xf32, #tpu.memory_space<hbm>>)
        tpu.yield
      }) : () -> ()
      %add3A_38 = arith.constant 128 : i32
      %add3A_39 = arith.addi %mul3A_6, %add3A_38 : i32
      "tpu.region"() ({
        %run_scoped3A = tpu.sem_alloc : memref<!tpu.dma_semaphore, #tpu.memory_space<semaphore_mem>>
        %dma_start3A = arith.constant 0 : i32
        %dma_start3A_46 = tpu.memref_slice %arg8[%add3A_39, %dma_start3A] : memref<10240x128xf32, #tpu.memory_space<vmem_shared>> -> memref<128x128xf32, #tpu.memory_space<vmem_shared>>
        %dma_start3A_47 = arith.constant 0 : i32
        %dma_start3A_48 = tpu.memref_slice %arg8[%add3A_39, %dma_start3A_47] : memref<10240x128xf32, #tpu.memory_space<vmem_shared>> -> memref<128x128xf32, #tpu.memory_space<vmem_shared>>
        tpu.enqueue_dma source(%dma_start3A_48 : memref<128x128xf32, #tpu.memory_space<vmem_shared>>) target(%arg11 : memref<128x128xf32, #tpu.memory_space<vmem>>) target_semaphore(%run_scoped3A : memref<!tpu.dma_semaphore, #tpu.memory_space<semaphore_mem>>)
        %dma_wait3A = arith.constant 0 : i32
        %dma_wait3A_49 = tpu.memref_slice %arg8[%add3A_39, %dma_wait3A] : memref<10240x128xf32, #tpu.memory_space<vmem_shared>> -> memref<128x128xf32, #tpu.memory_space<vmem_shared>>
        %dma_wait3A_50 = arith.constant 0 : i32
        %dma_wait3A_51 = tpu.memref_slice %arg8[%add3A_39, %dma_wait3A_50] : memref<10240x128xf32, #tpu.memory_space<vmem_shared>> -> memref<128x128xf32, #tpu.memory_space<vmem_shared>>
        tpu.wait_dma2 semaphore(%run_scoped3A : memref<!tpu.dma_semaphore, #tpu.memory_space<semaphore_mem>>) src(%dma_wait3A_51 : memref<128x128xf32, #tpu.memory_space<vmem_shared>>) dst(%arg11 : memref<128x128xf32, #tpu.memory_space<vmem>>)
        tpu.yield
      }) : () -> ()
      "tpu.region"() ({
        %run_scoped3A = tpu.sem_alloc : memref<!tpu.dma_semaphore, #tpu.memory_space<semaphore_mem>>
        %dma_start3A = arith.constant 0 : i32
        %dma_start3A_46 = tpu.memref_slice %arg7[%add3A_39, %dma_start3A] : memref<10240x128xf32, #tpu.memory_space<hbm>> -> memref<128x128xf32, #tpu.memory_space<hbm>>
        %dma_start3A_47 = arith.constant 0 : i32
        %dma_start3A_48 = tpu.memref_slice %arg7[%add3A_39, %dma_start3A_47] : memref<10240x128xf32, #tpu.memory_space<hbm>> -> memref<128x128xf32, #tpu.memory_space<hbm>>
        tpu.enqueue_dma source(%arg11 : memref<128x128xf32, #tpu.memory_space<vmem>>) target(%dma_start3A_48 : memref<128x128xf32, #tpu.memory_space<hbm>>) target_semaphore(%run_scoped3A : memref<!tpu.dma_semaphore, #tpu.memory_space<semaphore_mem>>)
        %dma_wait3A = arith.constant 0 : i32
        %dma_wait3A_49 = tpu.memref_slice %arg7[%add3A_39, %dma_wait3A] : memref<10240x128xf32, #tpu.memory_space<hbm>> -> memref<128x128xf32, #tpu.memory_space<hbm>>
        %dma_wait3A_50 = arith.constant 0 : i32
        %dma_wait3A_51 = tpu.memref_slice %arg7[%add3A_39, %dma_wait3A_50] : memref<10240x128xf32, #tpu.memory_space<hbm>> -> memref<128x128xf32, #tpu.memory_space<hbm>>
        tpu.wait_dma2 semaphore(%run_scoped3A : memref<!tpu.dma_semaphore, #tpu.memory_space<semaphore_mem>>) src(%arg11 : memref<128x128xf32, #tpu.memory_space<vmem>>) dst(%dma_wait3A_51 : memref<128x128xf32, #tpu.memory_space<hbm>>)
        tpu.yield
      }) : () -> ()
      %add3A_40 = arith.constant 256 : i32
      %add3A_41 = arith.addi %mul3A_6, %add3A_40 : i32
      "tpu.region"() ({
        %run_scoped3A = tpu.sem_alloc : memref<!tpu.dma_semaphore, #tpu.memory_space<semaphore_mem>>
        %dma_start3A = arith.constant 0 : i32
        %dma_start3A_46 = tpu.memref_slice %arg8[%add3A_41, %dma_start3A] : memref<10240x128xf32, #tpu.memory_space<vmem_shared>> -> memref<128x128xf32, #tpu.memory_space<vmem_shared>>
        %dma_start3A_47 = arith.constant 0 : i32
        %dma_start3A_48 = tpu.memref_slice %arg8[%add3A_41, %dma_start3A_47] : memref<10240x128xf32, #tpu.memory_space<vmem_shared>> -> memref<128x128xf32, #tpu.memory_space<vmem_shared>>
        tpu.enqueue_dma source(%dma_start3A_48 : memref<128x128xf32, #tpu.memory_space<vmem_shared>>) target(%arg11 : memref<128x128xf32, #tpu.memory_space<vmem>>) target_semaphore(%run_scoped3A : memref<!tpu.dma_semaphore, #tpu.memory_space<semaphore_mem>>)
        %dma_wait3A = arith.constant 0 : i32
        %dma_wait3A_49 = tpu.memref_slice %arg8[%add3A_41, %dma_wait3A] : memref<10240x128xf32, #tpu.memory_space<vmem_shared>> -> memref<128x128xf32, #tpu.memory_space<vmem_shared>>
        %dma_wait3A_50 = arith.constant 0 : i32
        %dma_wait3A_51 = tpu.memref_slice %arg8[%add3A_41, %dma_wait3A_50] : memref<10240x128xf32, #tpu.memory_space<vmem_shared>> -> memref<128x128xf32, #tpu.memory_space<vmem_shared>>
        tpu.wait_dma2 semaphore(%run_scoped3A : memref<!tpu.dma_semaphore, #tpu.memory_space<semaphore_mem>>) src(%dma_wait3A_51 : memref<128x128xf32, #tpu.memory_space<vmem_shared>>) dst(%arg11 : memref<128x128xf32, #tpu.memory_space<vmem>>)
        tpu.yield
      }) : () -> ()
      "tpu.region"() ({
        %run_scoped3A = tpu.sem_alloc : memref<!tpu.dma_semaphore, #tpu.memory_space<semaphore_mem>>
        %dma_start3A = arith.constant 0 : i32
        %dma_start3A_46 = tpu.memref_slice %arg7[%add3A_41, %dma_start3A] : memref<10240x128xf32, #tpu.memory_space<hbm>> -> memref<128x128xf32, #tpu.memory_space<hbm>>
        %dma_start3A_47 = arith.constant 0 : i32
        %dma_start3A_48 = tpu.memref_slice %arg7[%add3A_41, %dma_start3A_47] : memref<10240x128xf32, #tpu.memory_space<hbm>> -> memref<128x128xf32, #tpu.memory_space<hbm>>
        tpu.enqueue_dma source(%arg11 : memref<128x128xf32, #tpu.memory_space<vmem>>) target(%dma_start3A_48 : memref<128x128xf32, #tpu.memory_space<hbm>>) target_semaphore(%run_scoped3A : memref<!tpu.dma_semaphore, #tpu.memory_space<semaphore_mem>>)
        %dma_wait3A = arith.constant 0 : i32
        %dma_wait3A_49 = tpu.memref_slice %arg7[%add3A_41, %dma_wait3A] : memref<10240x128xf32, #tpu.memory_space<hbm>> -> memref<128x128xf32, #tpu.memory_space<hbm>>
        %dma_wait3A_50 = arith.constant 0 : i32
        %dma_wait3A_51 = tpu.memref_slice %arg7[%add3A_41, %dma_wait3A_50] : memref<10240x128xf32, #tpu.memory_space<hbm>> -> memref<128x128xf32, #tpu.memory_space<hbm>>
        tpu.wait_dma2 semaphore(%run_scoped3A : memref<!tpu.dma_semaphore, #tpu.memory_space<semaphore_mem>>) src(%arg11 : memref<128x128xf32, #tpu.memory_space<vmem>>) dst(%dma_wait3A_51 : memref<128x128xf32, #tpu.memory_space<hbm>>)
        tpu.yield
      }) : () -> ()
      %add3A_42 = arith.constant 384 : i32
      %add3A_43 = arith.addi %mul3A_6, %add3A_42 : i32
      "tpu.region"() ({
        %run_scoped3A = tpu.sem_alloc : memref<!tpu.dma_semaphore, #tpu.memory_space<semaphore_mem>>
        %dma_start3A = arith.constant 0 : i32
        %dma_start3A_46 = tpu.memref_slice %arg8[%add3A_43, %dma_start3A] : memref<10240x128xf32, #tpu.memory_space<vmem_shared>> -> memref<128x128xf32, #tpu.memory_space<vmem_shared>>
        %dma_start3A_47 = arith.constant 0 : i32
        %dma_start3A_48 = tpu.memref_slice %arg8[%add3A_43, %dma_start3A_47] : memref<10240x128xf32, #tpu.memory_space<vmem_shared>> -> memref<128x128xf32, #tpu.memory_space<vmem_shared>>
        tpu.enqueue_dma source(%dma_start3A_48 : memref<128x128xf32, #tpu.memory_space<vmem_shared>>) target(%arg11 : memref<128x128xf32, #tpu.memory_space<vmem>>) target_semaphore(%run_scoped3A : memref<!tpu.dma_semaphore, #tpu.memory_space<semaphore_mem>>)
        %dma_wait3A = arith.constant 0 : i32
        %dma_wait3A_49 = tpu.memref_slice %arg8[%add3A_43, %dma_wait3A] : memref<10240x128xf32, #tpu.memory_space<vmem_shared>> -> memref<128x128xf32, #tpu.memory_space<vmem_shared>>
        %dma_wait3A_50 = arith.constant 0 : i32
        %dma_wait3A_51 = tpu.memref_slice %arg8[%add3A_43, %dma_wait3A_50] : memref<10240x128xf32, #tpu.memory_space<vmem_shared>> -> memref<128x128xf32, #tpu.memory_space<vmem_shared>>
        tpu.wait_dma2 semaphore(%run_scoped3A : memref<!tpu.dma_semaphore, #tpu.memory_space<semaphore_mem>>) src(%dma_wait3A_51 : memref<128x128xf32, #tpu.memory_space<vmem_shared>>) dst(%arg11 : memref<128x128xf32, #tpu.memory_space<vmem>>)
        tpu.yield
      }) : () -> ()
      "tpu.region"() ({
        %run_scoped3A = tpu.sem_alloc : memref<!tpu.dma_semaphore, #tpu.memory_space<semaphore_mem>>
        %dma_start3A = arith.constant 0 : i32
        %dma_start3A_46 = tpu.memref_slice %arg7[%add3A_43, %dma_start3A] : memref<10240x128xf32, #tpu.memory_space<hbm>> -> memref<128x128xf32, #tpu.memory_space<hbm>>
        %dma_start3A_47 = arith.constant 0 : i32
        %dma_start3A_48 = tpu.memref_slice %arg7[%add3A_43, %dma_start3A_47] : memref<10240x128xf32, #tpu.memory_space<hbm>> -> memref<128x128xf32, #tpu.memory_space<hbm>>
        tpu.enqueue_dma source(%arg11 : memref<128x128xf32, #tpu.memory_space<vmem>>) target(%dma_start3A_48 : memref<128x128xf32, #tpu.memory_space<hbm>>) target_semaphore(%run_scoped3A : memref<!tpu.dma_semaphore, #tpu.memory_space<semaphore_mem>>)
        %dma_wait3A = arith.constant 0 : i32
        %dma_wait3A_49 = tpu.memref_slice %arg7[%add3A_43, %dma_wait3A] : memref<10240x128xf32, #tpu.memory_space<hbm>> -> memref<128x128xf32, #tpu.memory_space<hbm>>
        %dma_wait3A_50 = arith.constant 0 : i32
        %dma_wait3A_51 = tpu.memref_slice %arg7[%add3A_43, %dma_wait3A_50] : memref<10240x128xf32, #tpu.memory_space<hbm>> -> memref<128x128xf32, #tpu.memory_space<hbm>>
        tpu.wait_dma2 semaphore(%run_scoped3A : memref<!tpu.dma_semaphore, #tpu.memory_space<semaphore_mem>>) src(%arg11 : memref<128x128xf32, #tpu.memory_space<vmem>>) dst(%dma_wait3A_51 : memref<128x128xf32, #tpu.memory_space<hbm>>)
        tpu.yield
      }) : () -> ()
      %add3A_44 = arith.constant 512 : i32
      %add3A_45 = arith.addi %mul3A_6, %add3A_44 : i32
      "tpu.region"() ({
        %run_scoped3A = tpu.sem_alloc : memref<!tpu.dma_semaphore, #tpu.memory_space<semaphore_mem>>
        %dma_start3A = arith.constant 0 : i32
        %dma_start3A_46 = tpu.memref_slice %arg8[%add3A_45, %dma_start3A] : memref<10240x128xf32, #tpu.memory_space<vmem_shared>> -> memref<128x128xf32, #tpu.memory_space<vmem_shared>>
        %dma_start3A_47 = arith.constant 0 : i32
        %dma_start3A_48 = tpu.memref_slice %arg8[%add3A_45, %dma_start3A_47] : memref<10240x128xf32, #tpu.memory_space<vmem_shared>> -> memref<128x128xf32, #tpu.memory_space<vmem_shared>>
        tpu.enqueue_dma source(%dma_start3A_48 : memref<128x128xf32, #tpu.memory_space<vmem_shared>>) target(%arg11 : memref<128x128xf32, #tpu.memory_space<vmem>>) target_semaphore(%run_scoped3A : memref<!tpu.dma_semaphore, #tpu.memory_space<semaphore_mem>>)
        %dma_wait3A = arith.constant 0 : i32
        %dma_wait3A_49 = tpu.memref_slice %arg8[%add3A_45, %dma_wait3A] : memref<10240x128xf32, #tpu.memory_space<vmem_shared>> -> memref<128x128xf32, #tpu.memory_space<vmem_shared>>
        %dma_wait3A_50 = arith.constant 0 : i32
        %dma_wait3A_51 = tpu.memref_slice %arg8[%add3A_45, %dma_wait3A_50] : memref<10240x128xf32, #tpu.memory_space<vmem_shared>> -> memref<128x128xf32, #tpu.memory_space<vmem_shared>>
        tpu.wait_dma2 semaphore(%run_scoped3A : memref<!tpu.dma_semaphore, #tpu.memory_space<semaphore_mem>>) src(%dma_wait3A_51 : memref<128x128xf32, #tpu.memory_space<vmem_shared>>) dst(%arg11 : memref<128x128xf32, #tpu.memory_space<vmem>>)
        tpu.yield
      }) : () -> ()
      "tpu.region"() ({
        %run_scoped3A = tpu.sem_alloc : memref<!tpu.dma_semaphore, #tpu.memory_space<semaphore_mem>>
        %dma_start3A = arith.constant 0 : i32
        %dma_start3A_46 = tpu.memref_slice %arg7[%add3A_45, %dma_start3A] : memref<10240x128xf32, #tpu.memory_space<hbm>> -> memref<128x128xf32, #tpu.memory_space<hbm>>
        %dma_start3A_47 = arith.constant 0 : i32
        %dma_start3A_48 = tpu.memref_slice %arg7[%add3A_45, %dma_start3A_47] : memref<10240x128xf32, #tpu.memory_space<hbm>> -> memref<128x128xf32, #tpu.memory_space<hbm>>
        tpu.enqueue_dma source(%arg11 : memref<128x128xf32, #tpu.memory_space<vmem>>) target(%dma_start3A_48 : memref<128x128xf32, #tpu.memory_space<hbm>>) target_semaphore(%run_scoped3A : memref<!tpu.dma_semaphore, #tpu.memory_space<semaphore_mem>>)
        %dma_wait3A = arith.constant 0 : i32
        %dma_wait3A_49 = tpu.memref_slice %arg7[%add3A_45, %dma_wait3A] : memref<10240x128xf32, #tpu.memory_space<hbm>> -> memref<128x128xf32, #tpu.memory_space<hbm>>
        %dma_wait3A_50 = arith.constant 0 : i32
        %dma_wait3A_51 = tpu.memref_slice %arg7[%add3A_45, %dma_wait3A_50] : memref<10240x128xf32, #tpu.memory_space<hbm>> -> memref<128x128xf32, #tpu.memory_space<hbm>>
        tpu.wait_dma2 semaphore(%run_scoped3A : memref<!tpu.dma_semaphore, #tpu.memory_space<semaphore_mem>>) src(%arg11 : memref<128x128xf32, #tpu.memory_space<vmem>>) dst(%dma_wait3A_51 : memref<128x128xf32, #tpu.memory_space<hbm>>)
        tpu.yield
      }) : () -> ()
    } else {
    }
    return
  }
}

module attributes {stable_mosaic.version = 14 : i64} {
  func.func @body(%arg0: i32, %arg1: memref<1024x128xf32, #tpu.memory_space<vmem>>, %arg2: memref<1024x128xf32, #tpu.memory_space<vmem>>, %arg3: memref<128x128xf32, #tpu.memory_space<vmem>>, %arg4: memref<128x128xf32, #tpu.memory_space<vmem>>, %arg5: memref<1024x128xf32, #tpu.memory_space<vmem>>) attributes {dimension_semantics = [#tpu.dimension_semantics<arbitrary>], iteration_bounds = array<i64: 10>, scalar_prefetch = 0 : i64, scratch_operands = 0 : i64, tpu.core_type = #tpu.core_type<tc>, window_params = [{transform_indices = @transform_0, window_bounds = array<i64: 1024, 128>}, {transform_indices = @transform_1, window_bounds = array<i64: 1024, 128>}, {pipeline_mode = #tpu.pipeline_mode<synchronous>, transform_indices = @transform_2, window_bounds = array<i64: 128, 128>}, {pipeline_mode = #tpu.pipeline_mode<synchronous>, transform_indices = @transform_3, window_bounds = array<i64: 128, 128>}, {transform_indices = @transform_4, window_bounds = array<i64: 1024, 128>}]} {
    %get3A = arith.constant 0 : index
    %get3A_0 = arith.constant 0 : index
    %get3A_1 = vector.load %arg1[%get3A, %get3A_0] : memref<1024x128xf32, #tpu.memory_space<vmem>>, vector<1024x128xf32>
    %get3A_2 = arith.constant 0 : index
    %get3A_3 = arith.constant 0 : index
    %get3A_4 = vector.load %arg3[%get3A_2, %get3A_3] : memref<128x128xf32, #tpu.memory_space<vmem>>, vector<128x128xf32>
    %dot_general3A = arith.constant dense<0.000000e+00> : vector<1024x128xf32>
    %dot_general3A_5 = tpu.matmul %get3A_1, %get3A_4, %dot_general3A {dimension_numbers = #tpu.dot_dimension_numbers<[1], [0], [0], [1], [0, 0, 1, 1], [], []>, transpose_lhs_hint = false} : vector<1024x128xf32>, vector<128x128xf32>, vector<1024x128xf32> -> vector<1024x128xf32>
    %get3A_6 = arith.constant 0 : index
    %get3A_7 = arith.constant 0 : index
    %get3A_8 = vector.load %arg2[%get3A_6, %get3A_7] : memref<1024x128xf32, #tpu.memory_space<vmem>>, vector<1024x128xf32>
    %get3A_9 = arith.constant 0 : index
    %get3A_10 = arith.constant 0 : index
    %get3A_11 = vector.load %arg4[%get3A_9, %get3A_10] : memref<128x128xf32, #tpu.memory_space<vmem>>, vector<128x128xf32>
    %dot_general3A_12 = arith.constant dense<0.000000e+00> : vector<1024x128xf32>
    %dot_general3A_13 = tpu.matmul %get3A_8, %get3A_11, %dot_general3A_12 {dimension_numbers = #tpu.dot_dimension_numbers<[1], [0], [0], [1], [0, 0, 1, 1], [], []>, transpose_lhs_hint = false} : vector<1024x128xf32>, vector<128x128xf32>, vector<1024x128xf32> -> vector<1024x128xf32>
    %add3A = arith.addf %dot_general3A_5, %dot_general3A_13 : vector<1024x128xf32>
    %swap3A = arith.constant 0 : index
    %swap3A_14 = arith.constant 0 : index
    %swap3A_15 = vector.load %arg5[%swap3A, %swap3A_14] : memref<1024x128xf32, #tpu.memory_space<vmem>>, vector<1024x128xf32>
    tpu.vector_store %arg5[%swap3A, %swap3A_14], %add3A {strides = array<i32>} : memref<1024x128xf32, #tpu.memory_space<vmem>>, vector<1024x128xf32>,
    return
  }
  func.func @transform_0(%arg0: i32) -> (i32, i32) {
    %c0_i32 = arith.constant 0 : i32
    %c0_i32_0 = arith.constant 0 : i32
    return %arg0, %c0_i32 : i32, i32
  }
  func.func @transform_1(%arg0: i32) -> (i32, i32) {
    %c0_i32 = arith.constant 0 : i32
    %c0_i32_0 = arith.constant 0 : i32
    return %arg0, %c0_i32 : i32, i32
  }
  func.func @transform_2(%arg0: i32) -> (i32, i32) {
    %c0_i32 = arith.constant 0 : i32
    %c0_i32_0 = arith.constant 0 : i32
    %c0_i32_1 = arith.constant 0 : i32
    return %c0_i32, %c0_i32_0 : i32, i32
  }
  func.func @transform_3(%arg0: i32) -> (i32, i32) {
    %c0_i32 = arith.constant 0 : i32
    %c0_i32_0 = arith.constant 0 : i32
    %c0_i32_1 = arith.constant 0 : i32
    return %c0_i32, %c0_i32_0 : i32, i32
  }
  func.func @transform_4(%arg0: i32) -> (i32, i32) {
    %c0_i32 = arith.constant 0 : i32
    %c0_i32_0 = arith.constant 0 : i32
    return %arg0, %c0_i32 : i32, i32
  }
}

</mosaic_0001>

<sc_bundles>
// kernel: kernel.4.cloned.1.call-start
scs
__scs_entry_jumppad:
0x0: {  	(pc) =	sbr.rel $0x88, $3  }
0x1: {  	(tag) =	ssettag $0x0;
	lr =	simm.s32 $0x1  }
0x2: {  	[smem:$0x3F9D] =	sst lr;
	_ =	strace $0xD0000000  }
0x3: {  	_ = 	snop  }
0x4: {  	_ = 	snop  }
0x5: {  	_ = 	snop  }
0x6: {  	_ = 	snop  }
0x7: {  	_ = 	snop  }
__scs_overlays_trampoline_lowered:
0x8: {  	[smem:$0x3FAC] =	sst s0  }
0x9: {  	[smem:$0x3FAD] =	sst s1  }
0xa: {  	[smem:$0x3FAE] =	sst s2  }
0xb: {  	[smem:$0x3FAF] =	sst s3  }
0xc: {  	[smem:$0x3FB0] =	sst s4  }
0xd: {  	[smem:$0x3FB1] =	sst s5  }
0xe: {  	[smem:$0x3FB2] =	sst s6  }
0xf: {  	[smem:$0x3FB3] =	sst s7  }
0x10: {  	[smem:$0x3FB4] =	sst s8  }
0x11: {  	[smem:$0x3FB5] =	sst s9;
	s0 =	simm.s32 @!p0 $0x0  }
0x12: {  	s1 =	sld [smem:$0x3F9B];
	s0 =	simm.s32 @p0 $0x1  }
0x13: {  	[smem:$0x3FB6] =	sst s0;
	s0 =	simm.s32 @!p1 $0x0  }
0x14: {  	s2 =	sld [smem:$0x3F9A];
	s0 =	simm.s32 @p1 $0x1  }
0x15: {  	[smem:$0x3FB7] =	sst s0;
	s0 =	simm.s32 @!p2 $0x0  }
0x16: {  	s3 =	sld [smem:$0x3FDB];
	s0 =	simm.s32 @p2 $0x1  }
0x17: {  	s4 =	simm.s32 $0x1BF5;
	[smem:$0x3FB9] =	sst s0  }
0x18: {  	s0 =	sld [smem:$0x3F9C];
	_ =	swait.ge [sflag:s4], $0x0  }
0x19: {  	s7 =	sld [smem:$0x3F9D]  }
0x1a: {  	s8 =	sadd.s32 $0xFFFFE003, lr  }
0x1b: {  	s9 =	sadd.s32 $0xFFFFFEF7, lr;
	s5 =	simm.s32 $0xFFFFFFFF;
	p2 =	slt.u32 s8, $0xFFFFF086  }
0x1c: {  	p1 =	slt.u32 s9, $0xF7A;
	s5 =	simm.s32 @!p2 $0x0  }
0x1d: {  	s5 =	simm.s32 @p1 $0x1;
	p0 =	seq.s32 s7, s2  }
0x1e: {  	s7 =	smul.u32 @!p0 $0xF7A, s2;
	p2 =	seq.s32 @!p0 s5, $0x0  }
0x1f: {  	s9 =	smul.u32 $0xF7A, s1;
	s8 =	simm.s32 @!p0 $0x1BF5;
	p2 =	por !p2, p0  }
0x20: {  	[sflag:s8] =	ssyncset.s32 @!p0 $0xFFFFF086;
	s6 =	sadd.s32 @!p0 s3, s7;
	s7 =	simm.s32 @!p0 $0x108  }
0x21: {  	s3 =	sadd.s32 s3, s9;
	s6 =	sadd.s32 @!p0 $0x88, s6;
	s7 =	simm.s32 @p2 $0x1082  }
0x22: {  	[simem:s7], [sflag:s8] =	dma.local @!p0 [hbm:s6], $0xF7A  }
0x23: {  	s9 =	sor.u32 $0xD0000000, s2;
	s6 =	simm.s32 $0x108;
	_ =	swait.ge @!p0 [sflag:s8], $0x0  }
0x24: {  	s3 =	sadd.s32 $0x88, s3;
	s6 =	simm.s32 @!p1 $0x1082;
	[sflag:s4] =	ssyncset.s32 $0xFFFFF086  }
0x25: {  	[simem:s6], [sflag:s4] =	dma.local [hbm:s3], $0xF7A  }
0x26: {  	[smem:$0x3F9D] =	sst s1;
	(tag) =	ssettag s2;
	_ =	strace s9  }
0x27: {  	s1 =	sld [smem:$0x3FAD]  }
0x28: {  	s2 =	sld [smem:$0x3FAE]  }
0x29: {  	s4 =	sld [smem:$0x3FB0]  }
0x2a: {  	p0 =	seq.s32 s5, $0x0;
	s5 =	sld [smem:$0x3FB1]  }
0x2b: {  	s6 =	sld [smem:$0x3FB2]  }
0x2c: {  	s7 =	sld [smem:$0x3FB3]  }
0x2d: {  	s3 =	simm.s32 $0x108;
	s8 =	sld [smem:$0x3FB4]  }
0x2e: {  	s3 =	simm.s32 @!p0 $0x1082;
	s9 =	sld [smem:$0x3FB5]  }
0x2f: {  	lr =	sadd.s32 s0, s3;
	s0 =	sld [smem:$0x3FAC]  }
0x30: {  	s3 =	sld [smem:$0x3FAF]  }
0x31: {  	[smem:$0x3FB8] =	sst s10  }
0x32: {  	s10 =	sld [smem:$0x3FB6];
	_ =	sdelay $0x3  }
0x33: {  	p0 =	seq.s32 s10, $0x1;
	s10 =	sld [smem:$0x3FB8];
	_ =	sdelay $0x3  }
0x34: {  	[smem:$0x3FB8] =	sst s10  }
0x35: {  	s10 =	sld [smem:$0x3FB7];
	_ =	sdelay $0x3  }
0x36: {  	p1 =	seq.s32 s10, $0x1;
	s10 =	sld [smem:$0x3FB8];
	_ =	sdelay $0x3  }
0x37: {  	[smem:$0x3FB8] =	sst s10  }
0x38: {  	s10 =	sld [smem:$0x3FB9]  }
0x39: {  	_ = 	snop;
	(pc) =	sbr.ind lr, $3  }
0x3a: {  	_ = 	snop  }
0x3b: {  	_ = 	snop  }
0x3c: {  	p2 =	seq.s32 s10, $0x1;
	s10 =	sld [smem:$0x3FB8]  }
0x3d: {  	_ =	shalt  }
0x3e: {  	_ =	shalt  }
0x3f: {  	_ =	shalt  }
0x40: {  	_ =	shalt  }
0x41: {  	_ =	shalt  }
0x42: {  	_ =	shalt  }
0x43: {  	_ =	shalt  }
0x44: {  	_ =	shalt  }
0x45: {  	_ =	shalt  }
0x46: {  	_ =	shalt  }
0x47: {  	_ =	shalt  }
0x48: {  	_ =	shalt  }
0x49: {  	_ =	shalt  }
0x4a: {  	_ =	shalt  }
0x4b: {  	_ =	shalt  }
0x4c: {  	_ =	shalt  }
0x4d: {  	_ =	shalt  }
0x4e: {  	_ =	shalt  }
0x4f: {  	_ =	shalt  }
0x50: {  	_ =	shalt  }
0x51: {  	_ =	shalt  }
0x52: {  	_ =	shalt  }
0x53: {  	_ =	shalt  }
0x54: {  	_ =	shalt  }
0x55: {  	_ =	shalt  }
0x56: {  	_ =	shalt  }
0x57: {  	_ =	shalt  }
0x58: {  	_ =	shalt  }
0x59: {  	_ =	shalt  }
0x5a: {  	_ =	shalt  }
0x5b: {  	_ =	shalt  }
0x5c: {  	_ =	shalt  }
0x5d: {  	_ =	shalt  }
0x5e: {  	_ =	shalt  }
0x5f: {  	_ =	shalt  }
0x60: {  	_ =	shalt  }
0x61: {  	_ =	shalt  }
0x62: {  	_ =	shalt  }
0x63: {  	_ =	shalt  }
0x64: {  	_ =	shalt  }
0x65: {  	_ =	shalt  }
0x66: {  	_ =	shalt  }
0x67: {  	_ =	shalt  }
0x68: {  	_ =	shalt  }
0x69: {  	_ =	shalt  }
0x6a: {  	_ =	shalt  }
0x6b: {  	_ =	shalt  }
0x6c: {  	_ =	shalt  }
0x6d: {  	_ =	shalt  }
0x6e: {  	_ =	shalt  }
0x6f: {  	_ =	shalt  }
0x70: {  	_ =	shalt  }
0x71: {  	_ =	shalt  }
0x72: {  	_ =	shalt  }
0x73: {  	_ =	shalt  }
0x74: {  	_ =	shalt  }
0x75: {  	_ =	shalt  }
0x76: {  	_ =	shalt  }
0x77: {  	_ =	shalt  }
0x78: {  	_ =	shalt  }
0x79: {  	_ =	shalt  }
0x7a: {  	_ =	shalt  }
0x7b: {  	_ =	shalt  }
0x7c: {  	_ =	shalt  }
0x7d: {  	_ =	shalt  }
0x7e: {  	_ =	shalt  }
0x7f: {  	_ =	shalt  }
0x80: {  	_ =	shalt  }
0x81: {  	_ =	shalt  }
0x82: {  	_ =	shalt  }
0x83: {  	_ =	shalt  }
0x84: {  	_ =	shalt  }
0x85: {  	_ =	shalt  }
0x86: {  	_ =	shalt  }
0x87: {  	_ =	shalt  }
.Lfunc_end0:
.L_simem_size_0:
called_computation_lowered:
.L_overlay_start_0:
0x88: {  	s2 =	sld [smem:$0x3FD9]  }
0x89: {  	s3 =	sld [smem:$0x3FFE];
	_ =	sdelay $0x1  }
0x8a: {  	s1 =	srdreg.scid  }
0x8b: {  	s0 =	sand.u32 $0x1, s1  }
0x8c: {  	s17 =	sshll.u32 s0, $0xA;
	s2 =	sadd.s32 s3, s2  }
0x8d: {  	s2 =	sadd.s32 s2, s17  }
0x8e: {  	[smem:$0x3FC4] =	sst s2  }
0x8f: {  	_ = 	snop  }
0x90: {  	s2 =	sld [smem:$0x3FC9]  }
0x91: {  	s18 =	sld [smem:$0x3FD0];
	(tm) =	ssettm $0x1  }
0x92: {  	s4 =	sld [smem:$0x3FFB];
	_ =	sdelay $0x3  }
0x93: {  	_ =	strace s4  }
0x94: {  	s4 =	sld [smem:$0x3FFC];
	_ =	sdelay $0x3  }
0x95: {  	_ =	strace s4  }
0x96: {  	s4 =	sld [smem:$0x3FFD];
	_ =	sdelay $0x3  }
0x97: {  	_ =	strace s4  }
0x98: {  	_ =	strace $0x8FFFFFFF  }
0x99: {  	s19 =	sld [smem:$0x3FDB];
	_ =	sdelay $0x1  }
0x9a: {  	s5 =	simm.s32 $_scs_section_size  }
0x9b: {  	s6 =	simm.s32 $_size__tile_overlayer_lowered;
	s7 =	simm.s32 $_tile_overlayer_lowered  }
0x9c: {  	s22 =	simm.s32 $0x1BFF;
	s21 =	sshll.u32 s7, $0x1;
	s4 =	sadd.s32 s5, s19  }
0x9d: {  	s8 =	simm.s32 $0x0;
	s20 =	sshll.u32 s6, $0x1;
	s6 =	sadd.s32 s21, s4  }
0x9e: {  	[timem:s8], [sflag:s22] =	dma.local [hbm:s6], s20  }
0x9f: {  	_ =	swait.ge [sflag:s22], s20  }
0xa0: {  	s5 =	ssub.s32 $0x0, s20;
	[sflag:s22] =	ssyncset.done $0x0  }
0xa1: {  	[sflag:s22] =	ssyncadd.s32 s5;
	_ =	sdelay $0x1  }
0xa2: {  	s23 =	simm.s32 $0x1B8B  }
0xa3: {  	_ =	swait.ge [sflag:s23], $0x1  }
0xa4: {  	[sflag:s23] =	ssyncset.done $0x0  }
0xa5: {  	s25 =	simm.s32 $0x1B8E;
	s24 =	sld [smem:$0x3FFE];
	[sflag:s23] =	ssyncadd.s32 $0xFFFFFFFF  }
0xa6: {  	s26 =	simm.s32 $execute0_lowered;
	[smem:$0x3FD2] =	sst s25  }
0xa7: {  	s6 =	sshll.u32 s26, $0x1;
	_ =	strace $0x80000046;
	[dreg:$0x1] =	wrdreg $0xFFFFFFFF  }
0xa8: {  	s28 =	simm.s32 $_size_execute0_lowered;
	s4 =	sadd.s32 s4, s6;
	[dreg:$0x0] =	wrdreg $0x0  }
0xa9: {  	s6 =	sshll.u32 s28, $0x1;
	[dreg:$0x2] =	wrdreg s4  }
0xaa: {  	[dreg:$0x3] =	wrdreg s6  }
0xab: {  	[dreg:$0x4] =	wrdreg $0xC0  }
0xac: {  	_ =	task [dreg:s8], $0x5FFFF  }
0xad: {  	[dreg:$0x1] =	wrdreg $0xFFFFFFFF  }
0xae: {  	[dreg:$0x0] =	wrdreg $0x60  }
0xaf: {  	[dreg:$0x2] =	wrdreg s2  }
0xb0: {  	[dreg:$0x3] =	wrdreg s18  }
0xb1: {  	[dreg:$0x4] =	wrdreg s24  }
0xb2: {  	[dreg:$0x5] =	wrdreg $0x0  }
0xb3: {  	[dreg:$0x6] =	wrdreg $0x9  }
0xb4: {  	_ =	task.clear_ibuf [dreg:s8], $0x7FFFF;
	_ =	strace $0x90000046  }
0xb5: {  	s29 =	simm.s32 $0x9;
	_ =	strace $0x80000048  }
0xb6: {  	_ =	swait.ge [sflag:s29], $0x1  }
0xb7: {  	[sflag:s29] =	ssyncadd.s32 $0xFFFFFFFF  }
0xb8: {  	_ =	strace $0x90000048  }
0xb9: {  	_ =	sfence  }
0xba: {  	s30 =	sld [smem:$0x0];
	_ =	sdelay $0x2  }
0xbb: {  	s31 =	sshll.u32 s1, $0xD;
	s1 =	sshrl.u32 s1, $0x2  }
0xbc: {  	s3 =	sand.u32 $0x4000, s31;
	s1 =	sadd.s32 s1, s30  }
0xbd: {  	s0 =	sor.u32 s3, s0;
	s1 =	sshll.u32 s1, $0x11  }
0xbe: {  	s0 =	sor.u32 s1, s0  }
0xbf: {  	s0 =	sadd.s32 $0x8F2B, s0  }
0xc0: {  	[sflag:s0] =	ssyncadd.remote.s32 $0x1  }
0xc1: {  	_ =	sfence.sel $0xFFFF  }
0xc2: {  	[dreg:$0x0] =	wrdreg $0xFFFFFFFF;
	(pc) =	sbr.abs _section_cstart, $3  }
0xc3: {  	[dreg:$0x1] =	wrdreg $0xFFFFFFFF  }
0xc4: {  	_ =	task.clear_ibuf [dreg:s8], $0x2FFFF;
	_ =	strace $0x9FFFFFFF  }
0xc5: {  	(tm) =	ssettm $0x7FFFFFFF  }
tec
execute0_lowered:
.L_overlay_start_1:
0x0: {  	(tag) =	ssettag $0x1  }
0x1: {  	s1 =	rddreg [dreg:$0x0]  }
0x2: {  	s0 =	rddreg [dreg:$0x1]  }
0x3: {  	s3 =	rddreg [dreg:$0x2]  }
0x4: {  	s2 =	rddreg [dreg:$0x3];
	s4 =	simm.s32 $0x0  }
0x5: {  	s5 =	srdreg.scid;
	s14 =	stileid.u32;
	s28 =	simm.s32 $0x80  }
0x6: {  	s29 =	simm.s32 $0x1;
	s30 =	simm.s32 $0x18100;
	s31 =	simm.s32 $0x0  }
0x7: {  	[smem:$0x7FF] =	sst s4;
	s7 =	sand.u32 $0x1, s5;
	s12 =	smul.u32 $0x280, s14  }
0x8: {  	s5 =	sadd.s32 $0x600, s3;
	s6 =	sadd.s32 $0xA400, s3;
	s10 =	smul.u32 $0x50000, s14  }
0x9: {  	s11 =	sadd.s32 $0xA7400, s3;
	s3 =	sadd.s32 $0xCF400, s3;
	s18 =	smul.u32 $0x2800, s14  }
0xa: {  	s22 =	smul.u32 $0x9D0, s14;
	_ =	strace $0x80000047;
	[dreg:$0x5] =	wrdreg s11  }
0xb: {  	s8 =	ssub.s32 $0x2, s7;
	[dreg:$0x6] =	wrdreg s3;
	p0 =	sne.s32 s7, $0x0  }
0xc: {  	s9 =	sshrl.u32 s8, $0x1;
	s23 =	sshrl.u32 s10, $0x2;
	s16 =	sadd.s32 $0x80, s12  }
0xd: {  	s17 =	sadd.s32 $0x100, s12;
	s26 =	sadd.s32 $0x180, s12;
	s19 =	sadd.s32 $0x200, s12  }
0xe: {  	s12 =	smul.u32 $0x9D, s14;
	[dreg:$0x7] =	wrdreg s18;
	s21 =	ssub.s32 s8, s9  }
0xf: {  	s9 =	sadd.s32 s23, s2;
	s24 =	sshll.u32 s16, $0x7;
	s25 =	sshll.u32 s17, $0x7  }
0x10: {  	s13 =	sshll.u32 s26, $0x7;
	s15 =	sshll.u32 s19, $0x7;
	s16 =	sshll.u32 s16, $0x4  }
.Ltmp0:
0x11: {  	s17 =	sshll.u32 s17, $0x4;
	s18 =	sshll.u32 s26, $0x4;
	(pc) =	sbr.rel .LBB2_1-.Ltmp0, $4  }
0x12: {  	s19 =	sshll.u32 s19, $0x4;
	s23 =	simm.s32 $0x14100;
	s26 =	simm.s32 $0x14080  }
0x13: {  	s10 =	sadd.s32 s24, s2;
	s11 =	sadd.s32 s25, s2;
	s13 =	sadd.s32 s13, s2  }
0x14: {  	s15 =	sadd.s32 s15, s2;
	s20 =	smax.u32 s21, $0x1;
	s21 =	sadd.s32 s22, s5  }
0x15: {  	v0 =	vimm.f32 $0.0e+00;
	s22 =	sadd.s32 s22, s0;
	s24 =	simm.s32 $0x2;
	s25 =	simm.s32 $0x14000  }
.LBB2_11:
0x16: {  	[bflag:$0x0] =	sbarrier.arrive $0xFFFF  }
0x17: {  	[tilespmem:s23], [sflag:$0x2] =	stream.linear.gather [spmem:s9], $0x4000, $0x38;
	[tilespmem:$0x18900] =	vst v63  }
0x18: {  	_ =	swait.ge [sflag:s24], $0x4000  }
0x19: {  	[sflag:s24] =	ssyncset.done $0x0;
	s3 =	rddreg [dreg:$0x7]  }
0x1a: {  	s3 =	sadd.s32 s0, s3;
	[sflag:s24] =	ssyncadd.s32 $0xFFFFC000  }
0x1b: {  	[hbm4b:s3+s4] =	stream.linear.scatter [tilespmem:s23], [sflag:$0x2], $0x4000, $0x38;
	[tilespmem:$0x18900] =	vst v63  }
0x1c: {  	_ =	swait.ge [sflag:s24], $0x4000  }
0x1d: {  	[sflag:s24] =	ssyncset.done $0x0  }
0x1e: {  	[sflag:s24] =	ssyncadd.s32 $0xFFFFC000  }
0x1f: {  	[tilespmem:s23], [sflag:$0x2] =	stream.linear.gather [spmem:s10], $0x4000, $0x38;
	[tilespmem:$0x18900] =	vst v63  }
0x20: {  	_ =	swait.ge [sflag:s24], $0x4000  }
0x21: {  	[sflag:s24] =	ssyncset.done $0x0  }
0x22: {  	s14 =	sadd.s32 s0, s16;
	[sflag:s24] =	ssyncadd.s32 $0xFFFFC000  }
0x23: {  	[hbm4b:s14+s4] =	stream.linear.scatter [tilespmem:s23], [sflag:$0x2], $0x4000, $0x38;
	[tilespmem:$0x18900] =	vst v63  }
0x24: {  	_ =	swait.ge [sflag:s24], $0x4000  }
0x25: {  	[sflag:s24] =	ssyncset.done $0x0  }
0x26: {  	[sflag:s24] =	ssyncadd.s32 $0xFFFFC000  }
0x27: {  	[tilespmem:s23], [sflag:$0x2] =	stream.linear.gather [spmem:s11], $0x4000, $0x38;
	[tilespmem:$0x18900] =	vst v63  }
0x28: {  	_ =	swait.ge [sflag:s24], $0x4000  }
0x29: {  	[sflag:s24] =	ssyncset.done $0x0  }
0x2a: {  	s7 =	sadd.s32 s0, s17;
	[sflag:s24] =	ssyncadd.s32 $0xFFFFC000  }
0x2b: {  	[hbm4b:s7+s4] =	stream.linear.scatter [tilespmem:s23], [sflag:$0x2], $0x4000, $0x38;
	[tilespmem:$0x18900] =	vst v63  }
0x2c: {  	_ =	swait.ge [sflag:s24], $0x4000  }
0x2d: {  	[sflag:s24] =	ssyncset.done $0x0  }
0x2e: {  	[sflag:s24] =	ssyncadd.s32 $0xFFFFC000  }
0x2f: {  	[tilespmem:s23], [sflag:$0x2] =	stream.linear.gather [spmem:s13], $0x4000, $0x38;
	[tilespmem:$0x18900] =	vst v63  }
0x30: {  	_ =	swait.ge [sflag:s24], $0x4000  }
0x31: {  	[sflag:s24] =	ssyncset.done $0x0  }
0x32: {  	s8 =	sadd.s32 s0, s18;
	[sflag:s24] =	ssyncadd.s32 $0xFFFFC000  }
0x33: {  	[hbm4b:s8+s4] =	stream.linear.scatter [tilespmem:s23], [sflag:$0x2], $0x4000, $0x38;
	[tilespmem:$0x18900] =	vst v63  }
0x34: {  	_ =	swait.ge [sflag:s24], $0x4000  }
0x35: {  	[sflag:s24] =	ssyncset.done $0x0  }
0x36: {  	[sflag:s24] =	ssyncadd.s32 $0xFFFFC000  }
0x37: {  	[tilespmem:s23], [sflag:$0x2] =	stream.linear.gather [spmem:s15], $0x4000, $0x38;
	[tilespmem:$0x18900] =	vst v63  }
0x38: {  	s31 =	sadd.s32 $0x1, s31;
	_ =	swait.ge [sflag:s24], $0x4000  }
0x39: {  	p1 =	sne.s32 s31, s20;
	[sflag:s24] =	ssyncset.done $0x0  }
.Ltmp1:
0x3a: {  	s14 =	sadd.s32 s0, s19;
	[sflag:s24] =	ssyncadd.s32 $0xFFFFC000;
	(pc) =	sbr.rel @!p1 .LBB2_12-.Ltmp1, $4  }
0x3b: {  	[hbm4b:s14+s4] =	stream.linear.scatter [tilespmem:s23], [sflag:$0x2], $0x4000, $0x38;
	[tilespmem:$0x18900] =	vst v63  }
0x3c: {  	_ =	swait.ge [sflag:s24], $0x4000  }
0x3d: {  	[sflag:s24] =	ssyncset.done $0x0  }
0x3e: {  	[sflag:s24] =	ssyncadd.s32 $0xFFFFC000  }
.LBB2_1:
0x3f: {  	s0 =	simm.s32 $0x0;
	s3 =	simm.s32 $0x200  }
.LBB2_2:
0x40: {  	p1 =	sne.s32 s3, $0xFE00;
	[tilespmem:s0+$0x14170] =	vst v0  }
0x41: {  	[tilespmem:s0+$0x14100] =	vst v0  }
0x42: {  	[tilespmem:s0+$0x14110] =	vst v0  }
.Ltmp2:
0x43: {  	[tilespmem:s0+$0x14120] =	vst v0;
	(pc) =	sbr.rel @p1 .LBB2_2-.Ltmp2, $4  }
0x44: {  	[tilespmem:s0+$0x14130] =	vst v0  }
0x45: {  	[tilespmem:s0+$0x14140] =	vst v0  }
0x46: {  	[tilespmem:s0+$0x14150] =	vst v0  }
0x47: {  	[tilespmem:s0+$0x14160] =	vst v0;
	s0 =	sshra.s32 s3, $0x2;
	s3 =	sadd.s32 $0x200, s3  }
0x48: {  	[tilespmem:s0+$0x14170] =	vst v0  }
0x49: {  	[tilespmem:s0+$0x14100] =	vst v0  }
0x4a: {  	[tilespmem:s0+$0x14110] =	vst v0  }
0x4b: {  	[tilespmem:s0+$0x14120] =	vst v0  }
0x4c: {  	[tilespmem:s0+$0x14130] =	vst v0  }
0x4d: {  	[tilespmem:s0+$0x14140] =	vst v0  }
0x4e: {  	[tilespmem:s0+$0x14150] =	vst v0  }
0x4f: {  	[tilespmem:s0+$0x14160] =	vst v0  }
0x50: {  	[spmem:s9] =	stream.linear.scatter [tilespmem:s23], [sflag:$0x2], $0x4000, $0x38;
	[tilespmem:$0x18900] =	vst v63  }
0x51: {  	_ =	swait.ge [sflag:s24], $0x4000  }
0x52: {  	[sflag:s24] =	ssyncset.done $0x0  }
0x53: {  	[sflag:s24] =	ssyncadd.s32 $0xFFFFC000  }
0x54: {  	[spmem:s10] =	stream.linear.scatter [tilespmem:s23], [sflag:$0x2], $0x4000, $0x38;
	[tilespmem:$0x18900] =	vst v63  }
0x55: {  	_ =	swait.ge [sflag:s24], $0x4000  }
0x56: {  	[sflag:s24] =	ssyncset.done $0x0  }
0x57: {  	[sflag:s24] =	ssyncadd.s32 $0xFFFFC000  }
0x58: {  	[spmem:s11] =	stream.linear.scatter [tilespmem:s23], [sflag:$0x2], $0x4000, $0x38;
	[tilespmem:$0x18900] =	vst v63  }
0x59: {  	_ =	swait.ge [sflag:s24], $0x4000  }
0x5a: {  	[sflag:s24] =	ssyncset.done $0x0  }
0x5b: {  	[sflag:s24] =	ssyncadd.s32 $0xFFFFC000  }
0x5c: {  	[spmem:s13] =	stream.linear.scatter [tilespmem:s23], [sflag:$0x2], $0x4000, $0x38;
	[tilespmem:$0x18900] =	vst v63  }
0x5d: {  	_ =	swait.ge [sflag:s24], $0x4000  }
0x5e: {  	[sflag:s24] =	ssyncset.done $0x0  }
0x5f: {  	[sflag:s24] =	ssyncadd.s32 $0xFFFFC000  }
0x60: {  	[spmem:s15] =	stream.linear.scatter [tilespmem:s23], [sflag:$0x2], $0x4000, $0x38;
	[tilespmem:$0x18900] =	vst v63  }
.Ltmp3:
0x61: {  	_ =	swait.ge [sflag:s24], $0x4000;
	(pc) =	sbr.rel @p0 .LBB2_7-.Ltmp3, $4  }
0x62: {  	[sflag:s24] =	ssyncset.done $0x0  }
0x63: {  	[sflag:s24] =	ssyncadd.s32 $0xFFFFC000  }
0x64: {  	[bflag:$0x0] =	sbarrier.arrive $0xFFFF  }
0x65: {  	s0 =	simm.s32 $0x0;
	s3 =	simm.s32 $0x0  }
0x66: {  	s0 =	sadd.s32 $0x0, s22  }
0x67: {  	[tilespmem:s25], [sflag:$0x2] =	stream.linear.gather [hbm4b:s0+s4], $0x80, $0x38;
	[tilespmem:$0x18900] =	vst v63  }
0x68: {  	_ =	swait.ge [sflag:s24], $0x80  }
0x69: {  	[sflag:s24] =	ssyncset.done $0x0  }
0x6a: {  	s14 =	sadd.s32 $0x0, s21;
	[sflag:s24] =	ssyncadd.s32 $0xFFFFFF80  }
0x6b: {  	[tilespmem:s26], [sflag:$0x2] =	stream.linear.gather [hbm4b:s14+s4], $0x80, $0x38;
	[tilespmem:$0x18900] =	vst v63  }
0x6c: {  	_ =	swait.ge [sflag:s24], $0x80  }
0x6d: {  	[sflag:s24] =	ssyncset.done $0x0  }
0x6e: {  	[sflag:s24] =	ssyncadd.s32 $0xFFFFFF80  }
0x6f: {  	[tilespmem:s23], [sflag:$0x1] =	stream.indirect.gather [hbm4b:s1+s28], $0x80, s25, s28, $0xb8;
	[tilespmem:$0x18900] =	vst v63  }
0x70: {  	_ =	swait.ge [sflag:s29], $0x4000  }
0x71: {  	[sflag:s29] =	ssyncset.done $0x0  }
0x72: {  	[sflag:s29] =	ssyncadd.s32 $0xFFFFC000  }
0x73: {  	[spmem:s2] =	stream.indirect.scatter.add.f32 [tilespmem:s23], [sflag:$0x2], $0x80, s26, s28, $0xb8;
	[tilespmem:$0x18900] =	vst v63  }
0x74: {  	_ =	swait.ge [sflag:s24], $0x4000  }
0x75: {  	s3 =	simm.s32 $0x20;
	s0 =	simm.s32 $0x10;
	[sflag:s24] =	ssyncset.done $0x0  }
.LBB2_5:
0x76: {  	s7 =	sadd.s32 s0, s22  }
0x77: {  	[sflag:s24] =	ssyncadd.s32 $0xFFFFC000;
	s8 =	smov.u32 s3;
	s14 =	sadd.s32 $0x10, s3  }
0x78: {  	[tilespmem:s25], [sflag:$0x2] =	stream.linear.gather [hbm4b:s7+s4], $0x80, $0x38;
	[tilespmem:$0x18900] =	vst v63  }
0x79: {  	p1 =	seq.s32 s3, $0x9C0;
	_ =	swait.ge [sflag:s24], $0x80  }
0x7a: {  	[sflag:s24] =	ssyncset.done $0x0  }
0x7b: {  	s3 =	sadd.s32 s0, s21;
	s0 =	smov.u32 s8;
	[sflag:s24] =	ssyncadd.s32 $0xFFFFFF80  }
0x7c: {  	[tilespmem:s26], [sflag:$0x2] =	stream.linear.gather [hbm4b:s3+s4], $0x80, $0x38;
	[tilespmem:$0x18900] =	vst v63  }
0x7d: {  	_ =	swait.ge [sflag:s24], $0x80  }
0x7e: {  	[sflag:s24] =	ssyncset.done $0x0  }
0x7f: {  	[sflag:s24] =	ssyncadd.s32 $0xFFFFFF80  }
0x80: {  	[tilespmem:s23], [sflag:$0x1] =	stream.indirect.gather [hbm4b:s1+s28], $0x80, s25, s28, $0xb8;
	[tilespmem:$0x18900] =	vst v63  }
0x81: {  	_ =	swait.ge [sflag:s29], $0x4000  }
.Ltmp4:
0x82: {  	[sflag:s29] =	ssyncset.done $0x0;
	(pc) =	sbr.rel @!p1 .LBB2_5-.Ltmp4, $4  }
0x83: {  	[sflag:s29] =	ssyncadd.s32 $0xFFFFC000  }
0x84: {  	[spmem:s2] =	stream.indirect.scatter.add.f32 [tilespmem:s23], [sflag:$0x2], $0x80, s26, s28, $0xb8;
	[tilespmem:$0x18900] =	vst v63  }
0x85: {  	_ =	swait.ge [sflag:s24], $0x4000  }
0x86: {  	s3 =	smov.u32 s14;
	[sflag:s24] =	ssyncset.done $0x0  }
0x87: {  	s3 =	sadd.s32 s0, s22;
	[sflag:s24] =	ssyncadd.s32 $0xFFFFC000  }
0x88: {  	[tilespmem:s25], [sflag:$0x2] =	stream.linear.gather [hbm4b:s3+s4], $0x80, $0x38;
	[tilespmem:$0x18900] =	vst v63  }
0x89: {  	_ =	swait.ge [sflag:s24], $0x80  }
0x8a: {  	[sflag:s24] =	ssyncset.done $0x0  }
0x8b: {  	s14 =	sadd.s32 s0, s21;
	[sflag:s24] =	ssyncadd.s32 $0xFFFFFF80  }
0x8c: {  	[tilespmem:s26], [sflag:$0x2] =	stream.linear.gather [hbm4b:s14+s4], $0x80, $0x38;
	[tilespmem:$0x18900] =	vst v63  }
0x8d: {  	_ =	swait.ge [sflag:s24], $0x80  }
0x8e: {  	[sflag:s24] =	ssyncset.done $0x0  }
0x8f: {  	[sflag:s24] =	ssyncadd.s32 $0xFFFFFF80  }
0x90: {  	[tilespmem:s23], [sflag:$0x1] =	stream.indirect.gather [hbm4b:s1+s28], $0x80, s25, s28, $0xb8;
	[tilespmem:$0x18900] =	vst v63  }
0x91: {  	_ =	swait.ge [sflag:s29], $0x4000  }
0x92: {  	[sflag:s29] =	ssyncset.done $0x0  }
.Ltmp5:
0x93: {  	[sflag:s29] =	ssyncadd.s32 $0xFFFFC000;
	(pc) =	sbr.rel .LBB2_11-.Ltmp5, $4  }
0x94: {  	[spmem:s2] =	stream.indirect.scatter.add.f32 [tilespmem:s23], [sflag:$0x2], $0x80, s26, s28, $0xb8;
	[tilespmem:$0x18900] =	vst v63  }
0x95: {  	_ =	swait.ge [sflag:s24], $0x4000  }
0x96: {  	[sflag:s24] =	ssyncset.done $0x0  }
0x97: {  	s0 =	rddreg [dreg:$0x5];
	[sflag:s24] =	ssyncadd.s32 $0xFFFFC000  }
.LBB2_7:
0x98: {  	s7 =	sadd.s32 s12, s3  }
0x99: {  	s8 =	sshll.u32 s7, $0x4  }
0x9a: {  	s8 =	sadd.s32 s5, s8  }
0x9b: {  	[tilespmem:s26], [sflag:$0x2] =	stream.linear.gather [hbm4b:s8+s0], $0x80, $0x38;
	[tilespmem:$0x18900] =	vst v63  }
0x9c: {  	_ =	swait.ge [sflag:s24], $0x80  }
0x9d: {  	s7 =	sshll.u32 s7, $0x8;
	[sflag:s24] =	ssyncset.done $0x0  }
0x9e: {  	s7 =	sadd.s32 s6, s7;
	[sflag:s24] =	ssyncadd.s32 $0xFFFFFF80  }
0x9f: {  	[tilespmem:s30], [sflag:$0x2] =	stream.linear.gather [hbm4b:s7+s0], $0x800, $0x38;
	[tilespmem:$0x18900] =	vst v63  }
0xa0: {  	_ =	swait.ge [sflag:s24], $0x800  }
0xa1: {  	[sflag:s24] =	ssyncset.done $0x0  }
0xa2: {  	s14 =	simm.s32 $0x0;
	[sflag:s24] =	ssyncadd.s32 $0xFFFFF800  }
0xa3: {  	v1 =	vld [tilespmem:s14+$0x18100];
	_ =	sdelay $0x3  }
0xa4: {  	s8 =	simm.s32 $0x40;
	s7 =	simm.s32 $0x14100  }
.LBB2_8:
0xa5: {  	s14 =	sshra.s32 s8, $0x2;
	p1 =	sne.s32 s8, $0x1FC0;
	s8 =	sadd.s32 $0x40, s8;
	[tilespmem:s7+$0x0] =	vst v1  }
.Ltmp6:
0xa6: {  	v1 =	vld [tilespmem:s14+$0x18100];
	(pc) =	sbr.rel @p1 .LBB2_8-.Ltmp6, $2  }
0xa7: {  	_ =	sdelay $0x2  }
0xa8: {  	s7 =	sadd.s32 $0x80, s7  }
0xa9: {  	s3 =	sadd.s32 $0x1, s3  }
0xaa: {  	p1 =	sne.s32 s3, $0x9D  }
.Ltmp7:
0xab: {  	[tilespmem:s7+$0x0] =	vst v1;
	(pc) =	sbr.rel @p1 .LBB2_7-.Ltmp7, $4  }
0xac: {  	[spmem:s2] =	stream.indirect.scatter.add.f32 [tilespmem:s23], [sflag:$0x2], $0x80, s26, s28, $0xb8;
	[tilespmem:$0x18900] =	vst v63  }
0xad: {  	_ =	swait.ge [sflag:s24], $0x4000  }
0xae: {  	[sflag:s24] =	ssyncset.done $0x0  }
0xaf: {  	[sflag:s24] =	ssyncadd.s32 $0xFFFFC000  }
.Ltmp8:
0xb0: {  	(pc) =	sbr.rel .LBB2_11-.Ltmp8, $2  }
0xb1: {  	_ =	sdelay $0x2  }
0xb2: {  	s0 =	rddreg [dreg:$0x6]  }
.LBB2_12:
0xb3: {  	_ =	sfence.sel $0x180000  }
0xb4: {  	[bflag:$0x0] =	sbarrier.arrive $0xFFFF  }
0xb5: {  	_ =	strace $0x90000047  }
0xb6: {  	s0 =	stileid.u32;
	[bflag:$0x2] =	sbarrier.arrive $0xFFFF  }
0xb7: {  	p0 =	sne.s32 s0, $0x0;
	s0 =	rddreg [dreg:$0x4]  }
0xb8: {  	s0 =	sadd.s32 @!p0 $0x100000, s0  }
0xb9: {  	[sflag:s0] =	ssyncadd.tile.s32 @!p0 $0x1;
	_ =	shalt  }
.Lfunc_end2:
_tile_overlayer_lowered:
.L_overlay_start_2:
0xba: {  	(tag) =	ssettag $0x2  }
0xbb: {  	s0 =	rddreg [dreg:$0x0];
	s2 =	stileid.u32  }
0xbc: {  	s1 =	rddreg [dreg:$0x1];
	p0 =	sne.s32 s2, $0x0  }
0xbd: {  	s3 =	rddreg [dreg:$0x2];
	[bflag:$0x3] =	sbarrier.arrive $0xFFFF;
	s2 =	simm.s32 @!p0 $0x1C02  }
0xbe: {  	[timem:s3], [sflag:s2] =	dma.local @!p0 [hbm:s0], s1  }
0xbf: {  	s0 =	simm.s32 @!p0 $0x2  }
0xc0: {  	_ =	swait.ge @!p0 [sflag:s0], s1  }
0xc1: {  	s1 =	ssub.s32 @!p0 $0x0, s1;
	[sflag:s0] =	ssyncset.done @!p0 $0x0  }
0xc2: {  	[sflag:s0] =	ssyncadd.s32 @!p0 s1  }
0xc3: {  	[bflag:$0x3] =	sbarrier.arrive $0xFFFF  }
0xc4: {  	_ =	shalt  }

</sc_bundles>
